<compile_context>
chip_gen: v7x
topology: tpu7x:2x2x1
jax: 0.10.2.dev20260603
libtpu: 0.0.44.dev20260713+nightly
codegen_flags: <defaults>
</compile_context>

<pallas_src>
import functools

import jax
import jax.numpy as jnp
from jax import lax
from jax.experimental import pallas as pl
from jax.experimental.pallas import tpu as pltpu
from jax.experimental.pallas import tpu_sc as plsc

VOCAB = 1000000
BATCH = 16384
WIN = 5
EMB = 50
EMBP = 128

NC = 2
NS = 16
NW = NC * NS
CHUNK = 128
TOTAL = BATCH * WIN
PER_W = TOTAL // NW
NCHUNK = PER_W // CHUNK
NPASS = 10
NBUF = NCHUNK // NPASS


def _make_sc_gather():
    mesh = plsc.VectorSubcoreMesh(core_axis_name="c", subcore_axis_name="s")

    @functools.partial(
        pl.kernel,
        mesh=mesh,
        compiler_params=pltpu.CompilerParams(use_tc_tiling_on_sc=True),
        out_type=jax.ShapeDtypeStruct((NW, NCHUNK, CHUNK, EMBP), jnp.float32),
        scratch_types=[
            pltpu.VMEM((NCHUNK, CHUNK), jnp.int32),
            pltpu.VMEM((NBUF, CHUNK, EMBP), jnp.float32),
            pltpu.VMEM((NBUF, CHUNK, EMBP), jnp.float32),
            pltpu.SemaphoreType.DMA,
            pltpu.SemaphoreType.DMA,
        ],
    )
    def gather_k(table_hbm, idx_hbm, out_hbm, idx_v, rows_a, rows_b, sem_a,
                 sem_b):
        wid = lax.axis_index("s") * NC + lax.axis_index("c")
        pltpu.sync_copy(idx_hbm.at[wid], idx_v)
        bufs = (rows_a, rows_b)
        sems = (sem_a, sem_b)

        def fire(p):
            buf, sem = bufs[p % 2], sems[p % 2]
            return [pltpu.async_copy(table_hbm.at[idx_v.at[p * NBUF + j]],
                                     buf.at[j], sem)
                    for j in range(NBUF)]

        def drain(p, copies):
            for c in copies:
                c.wait()
            pltpu.sync_copy(bufs[p % 2],
                            out_hbm.at[wid, pl.ds(p * NBUF, NBUF)])

        pend = [fire(0), fire(1)]
        for p in range(NPASS):
            drain(p, pend[p])
            if p + 2 < NPASS:
                pend.append(fire(p + 2))

    return gather_k


_sc_gather = _make_sc_gather()


def _pad_body(t_ref, o_ref):
    xt = t_ref[...].T
    o_ref[...] = jnp.concatenate(
        [xt, jnp.zeros((xt.shape[0], EMBP - EMB), jnp.float32)], axis=1)


def _pad_table(tableT, bm=16384):
    grid = (VOCAB + bm - 1) // bm
    return pl.pallas_call(
        _pad_body,
        grid=(grid,),
        in_specs=[pl.BlockSpec((EMB, bm), lambda i: (0, i))],
        out_specs=pl.BlockSpec((bm, EMBP), lambda i: (i, 0)),
        out_shape=jax.ShapeDtypeStruct((VOCAB, EMBP), jnp.float32),
    )(tableT)


def _mlp_body(x_ref, w1_ref, b1_ref, w2_ref, b2_ref, o_ref):
    x = x_ref[...]
    h = jnp.tanh(
        lax.dot_general(x, w1_ref[...], (((1,), (1,)), ((), ())),
                        preferred_element_type=jnp.float32) + b1_ref[...])
    o_ref[...] = lax.dot_general(h, w2_ref[...], (((1,), (1,)), ((), ())),
                                 preferred_element_type=jnp.float32) + b2_ref[...]


def _mlp(x, W1p, b1, W2, b2, bm=2048):
    kp = WIN * EMBP
    return pl.pallas_call(
        _mlp_body,
        grid=(BATCH // bm,),
        in_specs=[
            pl.BlockSpec((bm, kp), lambda i: (i, 0)),
            pl.BlockSpec((100, kp), lambda i: (0, 0)),
            pl.BlockSpec((1, 100), lambda i: (0, 0)),
            pl.BlockSpec((36, 100), lambda i: (0, 0)),
            pl.BlockSpec((1, 36), lambda i: (0, 0)),
        ],
        out_specs=pl.BlockSpec((bm, 36), lambda i: (i, 0)),
        out_shape=jax.ShapeDtypeStruct((BATCH, 36), jnp.float32),
    )(x, W1p, b1.reshape(1, 100), W2, b2.reshape(1, 36))


def kernel(input, table, W1, b1, W2, b2):
    tablep = _pad_table(table.T)
    idx = input.reshape(NW, NCHUNK, CHUNK).astype(jnp.int32)
    rows = _sc_gather(tablep, idx)
    x = rows.reshape(BATCH, WIN * EMBP)
    W1p = jnp.pad(W1.reshape(100, WIN, EMB),
                  ((0, 0), (0, 0), (0, EMBP - EMB))).reshape(100, WIN * EMBP)
    return _mlp(x, W1p, b1, W2, b2)

# --- scband reference (transcript-rebuilt; emitter-appended) ---
"""Pipeline reference for scband-pos-16303695856207 (READ-ONLY COPY).

The authoritative reference and input builder live on the scoring server;
editing this copy changes nothing except your own understanding.
"""

import jax, jax.numpy as jnp
import numpy as np

VOCAB = 1000000
BATCH = 16384
WIN = 5
EMB = 50

def setup_inputs(seed: int = 0) -> dict:
    key = jax.random.key(seed)
    k1, k2, k3, k4 = jax.random.split(key, 4)
    inp = jax.random.randint(k1, (BATCH, WIN), 0, VOCAB)
    table = jax.random.normal(k2, (VOCAB, EMB), dtype=jnp.float32)
    table = table.at[0].set(0.0)  # padding_idx=0
    # xavier_uniform for fc1 (100, 250): bound = sqrt(6/(100+250))
    b_fc1 = np.sqrt(6.0 / (100 + 250))
    W1 = jax.random.uniform(k3, (100, 250), dtype=jnp.float32, minval=-b_fc1, maxval=b_fc1)
    b1 = jnp.zeros((100,), dtype=jnp.float32)
    # xavier_uniform for output (36, 100)
    b_out = np.sqrt(6.0 / (36 + 100))
    W2 = jax.random.uniform(k4, (36, 100), dtype=jnp.float32, minval=-b_out, maxval=b_out)
    b2 = jnp.zeros((36,), dtype=jnp.float32)
    return {"input": inp, "table": table, "W1": W1, "b1": b1, "W2": W2, "b2": b2}

def reference(input, table, W1, b1, W2, b2):
    # nn.Embedding with padding_idx=0 (row 0 forced to zero)
    table_eff = table.at[0].set(0.0)
    embedded = jnp.take(table_eff, input, axis=0)          # [B, 5, 50]
    flattened = embedded.reshape(input.shape[0], -1)       # [B, 250]
    hidden = jnp.tanh(flattened @ W1.T + b1)               # [B, 100]
    # dropout(0.3) is identity in eval mode
    out = hidden @ W2.T + b2                               # [B, 36]
    return out

if __name__ == "__main__":
    import jax
    _d = setup_inputs()
    print(jax.jit(kernel)(*tuple(_d.values())))

</pallas_src>

<mosaic_0001>
#map = affine_map<(d0, d1) -> (0, 0)>
#map1 = affine_map<(d0, d1) -> (0, 0, 0)>
#map2 = affine_map<(d0, d1) -> (0, 0, 0, 0)>
module attributes {stable_mosaic.version = 14 : i64} {
  func.func @gather_k(%arg0: i32, %arg1: i32, %arg2: memref<1000000x128xf32, #tpu.memory_space<hbm>>, %arg3: memref<32x20x128xi32, #tpu.memory_space<hbm>>, %arg4: memref<32x20x128x128xf32, #tpu.memory_space<hbm>>, %arg5: memref<20x128xi32, #tpu.memory_space<vmem>>, %arg6: memref<2x128x128xf32, #tpu.memory_space<vmem>>, %arg7: memref<2x128x128xf32, #tpu.memory_space<vmem>>, %arg8: memref<!tpu.dma_semaphore, #tpu.memory_space<semaphore_mem>>, %arg9: memref<!tpu.dma_semaphore, #tpu.memory_space<semaphore_mem>>) attributes {dimension_semantics = [#tpu.dimension_semantics<core_parallel>, #tpu.dimension_semantics<subcore_parallel>], iteration_bounds = array<i64: 2, 16>, scalar_prefetch = 0 : i64, scratch_operands = 5 : i64, tpu.core_type = #tpu.core_type<sc_vector_subcore>, window_params = [{transform_indices = #map}, {transform_indices = #map1}, {transform_indices = #map2}]} {
    %mul3A = arith.constant 2 : i32
    %mul3A_0 = arith.muli %arg1, %mul3A : i32
    %add3A = arith.addi %mul3A_0, %arg0 : i32
    "tpu.region"() ({
      %run_scoped3A = tpu.sem_alloc : memref<!tpu.dma_semaphore, #tpu.memory_space<semaphore_mem>>
      %dma_start3A_479 = arith.constant 0 : i32
      %dma_start3A_480 = arith.constant 0 : i32
      %dma_start3A_481 = tpu.memref_slice %arg3[%add3A, %dma_start3A_479, %dma_start3A_480] : memref<32x20x128xi32, #tpu.memory_space<hbm>> -> memref<1x20x128xi32, #tpu.memory_space<hbm>>
      %dma_start3A_482 = tpu.memref_squeeze %dma_start3A_481 : memref<1x20x128xi32, #tpu.memory_space<hbm>> -> memref<20x128xi32, #tpu.memory_space<hbm>>
      %dma_start3A_483 = arith.constant 0 : i32
      %dma_start3A_484 = arith.constant 0 : i32
      %dma_start3A_485 = tpu.memref_slice %arg3[%add3A, %dma_start3A_483, %dma_start3A_484] : memref<32x20x128xi32, #tpu.memory_space<hbm>> -> memref<1x20x128xi32, #tpu.memory_space<hbm>>
      %dma_start3A_486 = tpu.memref_squeeze %dma_start3A_485 : memref<1x20x128xi32, #tpu.memory_space<hbm>> -> memref<20x128xi32, #tpu.memory_space<hbm>>
      tpu.enqueue_dma source(%dma_start3A_486 : memref<20x128xi32, #tpu.memory_space<hbm>>) target(%arg5 : memref<20x128xi32, #tpu.memory_space<vmem>>) target_semaphore(%run_scoped3A : memref<!tpu.dma_semaphore, #tpu.memory_space<semaphore_mem>>)
      %dma_wait3A_487 = arith.constant 0 : i32
      %dma_wait3A_488 = arith.constant 0 : i32
      %dma_wait3A_489 = tpu.memref_slice %arg3[%add3A, %dma_wait3A_487, %dma_wait3A_488] : memref<32x20x128xi32, #tpu.memory_space<hbm>> -> memref<1x20x128xi32, #tpu.memory_space<hbm>>
      %dma_wait3A_490 = tpu.memref_squeeze %dma_wait3A_489 : memref<1x20x128xi32, #tpu.memory_space<hbm>> -> memref<20x128xi32, #tpu.memory_space<hbm>>
      %dma_wait3A_491 = arith.constant 0 : i32
      %dma_wait3A_492 = arith.constant 0 : i32
      %dma_wait3A_493 = tpu.memref_slice %arg3[%add3A, %dma_wait3A_491, %dma_wait3A_492] : memref<32x20x128xi32, #tpu.memory_space<hbm>> -> memref<1x20x128xi32, #tpu.memory_space<hbm>>
      %dma_wait3A_494 = tpu.memref_squeeze %dma_wait3A_493 : memref<1x20x128xi32, #tpu.memory_space<hbm>> -> memref<20x128xi32, #tpu.memory_space<hbm>>
      tpu.wait_dma2 semaphore(%run_scoped3A : memref<!tpu.dma_semaphore, #tpu.memory_space<semaphore_mem>>) src(%dma_wait3A_494 : memref<20x128xi32, #tpu.memory_space<hbm>>) dst(%arg5 : memref<20x128xi32, #tpu.memory_space<vmem>>)
      tpu.yield
    }) : () -> ()
    %dma_start3A = arith.constant 0 : i32
    %dma_start3A_1 = arith.constant 0 : i32
    %dma_start3A_2 = arith.constant 0 : i32
    %dma_start3A_3 = arith.constant 0 : i32
    %dma_start3A_4 = tpu.memref_slice %arg6[%dma_start3A_1, %dma_start3A_2, %dma_start3A_3] : memref<2x128x128xf32, #tpu.memory_space<vmem>> -> memref<1x128x128xf32, #tpu.memory_space<vmem>>
    %dma_start3A_5 = tpu.memref_squeeze %dma_start3A_4 : memref<1x128x128xf32, #tpu.memory_space<vmem>> -> memref<128x128xf32, #tpu.memory_space<vmem>>
    %dma_start3A_6 = arith.constant 0 : i32
    %dma_start3A_7 = tpu.memref_slice %arg5[%dma_start3A, %dma_start3A_6] : memref<20x128xi32, #tpu.memory_space<vmem>> -> memref<1x128xi32, #tpu.memory_space<vmem>>
    %dma_start3A_8 = tpu.memref_squeeze %dma_start3A_7 : memref<1x128xi32, #tpu.memory_space<vmem>> -> memref<128xi32, #tpu.memory_space<vmem>>
    %dma_start3A_9 = arith.constant 0 : i32
    %dma_start3A_10 = arith.constant 0 : i32
    %dma_start3A_11 = tpu.memref_slice %arg2[%dma_start3A_9, %dma_start3A_10] : memref<1000000x128xf32, #tpu.memory_space<hbm>> -> memref<1000000x128xf32, #tpu.memory_space<hbm>>
    tpu.enqueue_indirect_dma source(%dma_start3A_11 : memref<1000000x128xf32, #tpu.memory_space<hbm>>) target(%dma_start3A_5 : memref<128x128xf32, #tpu.memory_space<vmem>>) offsets(%dma_start3A_8 : memref<128xi32, #tpu.memory_space<vmem>>) semaphore(%arg8 : memref<!tpu.dma_semaphore, #tpu.memory_space<semaphore_mem>>)
    %dma_start3A_12 = arith.constant 1 : i32
    %dma_start3A_13 = arith.constant 1 : i32
    %dma_start3A_14 = arith.constant 0 : i32
    %dma_start3A_15 = arith.constant 0 : i32
    %dma_start3A_16 = tpu.memref_slice %arg6[%dma_start3A_13, %dma_start3A_14, %dma_start3A_15] : memref<2x128x128xf32, #tpu.memory_space<vmem>> -> memref<1x128x128xf32, #tpu.memory_space<vmem>>
    %dma_start3A_17 = tpu.memref_squeeze %dma_start3A_16 : memref<1x128x128xf32, #tpu.memory_space<vmem>> -> memref<128x128xf32, #tpu.memory_space<vmem>>
    %dma_start3A_18 = arith.constant 0 : i32
    %dma_start3A_19 = tpu.memref_slice %arg5[%dma_start3A_12, %dma_start3A_18] : memref<20x128xi32, #tpu.memory_space<vmem>> -> memref<1x128xi32, #tpu.memory_space<vmem>>
    %dma_start3A_20 = tpu.memref_squeeze %dma_start3A_19 : memref<1x128xi32, #tpu.memory_space<vmem>> -> memref<128xi32, #tpu.memory_space<vmem>>
    %dma_start3A_21 = arith.constant 0 : i32
    %dma_start3A_22 = arith.constant 0 : i32
    %dma_start3A_23 = tpu.memref_slice %arg2[%dma_start3A_21, %dma_start3A_22] : memref<1000000x128xf32, #tpu.memory_space<hbm>> -> memref<1000000x128xf32, #tpu.memory_space<hbm>>
    tpu.enqueue_indirect_dma source(%dma_start3A_23 : memref<1000000x128xf32, #tpu.memory_space<hbm>>) target(%dma_start3A_17 : memref<128x128xf32, #tpu.memory_space<vmem>>) offsets(%dma_start3A_20 : memref<128xi32, #tpu.memory_space<vmem>>) semaphore(%arg8 : memref<!tpu.dma_semaphore, #tpu.memory_space<semaphore_mem>>)
    %dma_start3A_24 = arith.constant 2 : i32
    %dma_start3A_25 = arith.constant 0 : i32
    %dma_start3A_26 = arith.constant 0 : i32
    %dma_start3A_27 = arith.constant 0 : i32
    %dma_start3A_28 = tpu.memref_slice %arg7[%dma_start3A_25, %dma_start3A_26, %dma_start3A_27] : memref<2x128x128xf32, #tpu.memory_space<vmem>> -> memref<1x128x128xf32, #tpu.memory_space<vmem>>
    %dma_start3A_29 = tpu.memref_squeeze %dma_start3A_28 : memref<1x128x128xf32, #tpu.memory_space<vmem>> -> memref<128x128xf32, #tpu.memory_space<vmem>>
    %dma_start3A_30 = arith.constant 0 : i32
    %dma_start3A_31 = tpu.memref_slice %arg5[%dma_start3A_24, %dma_start3A_30] : memref<20x128xi32, #tpu.memory_space<vmem>> -> memref<1x128xi32, #tpu.memory_space<vmem>>
    %dma_start3A_32 = tpu.memref_squeeze %dma_start3A_31 : memref<1x128xi32, #tpu.memory_space<vmem>> -> memref<128xi32, #tpu.memory_space<vmem>>
    %dma_start3A_33 = arith.constant 0 : i32
    %dma_start3A_34 = arith.constant 0 : i32
    %dma_start3A_35 = tpu.memref_slice %arg2[%dma_start3A_33, %dma_start3A_34] : memref<1000000x128xf32, #tpu.memory_space<hbm>> -> memref<1000000x128xf32, #tpu.memory_space<hbm>>
    tpu.enqueue_indirect_dma source(%dma_start3A_35 : memref<1000000x128xf32, #tpu.memory_space<hbm>>) target(%dma_start3A_29 : memref<128x128xf32, #tpu.memory_space<vmem>>) offsets(%dma_start3A_32 : memref<128xi32, #tpu.memory_space<vmem>>) semaphore(%arg9 : memref<!tpu.dma_semaphore, #tpu.memory_space<semaphore_mem>>)
    %dma_start3A_36 = arith.constant 3 : i32
    %dma_start3A_37 = arith.constant 1 : i32
    %dma_start3A_38 = arith.constant 0 : i32
    %dma_start3A_39 = arith.constant 0 : i32
    %dma_start3A_40 = tpu.memref_slice %arg7[%dma_start3A_37, %dma_start3A_38, %dma_start3A_39] : memref<2x128x128xf32, #tpu.memory_space<vmem>> -> memref<1x128x128xf32, #tpu.memory_space<vmem>>
    %dma_start3A_41 = tpu.memref_squeeze %dma_start3A_40 : memref<1x128x128xf32, #tpu.memory_space<vmem>> -> memref<128x128xf32, #tpu.memory_space<vmem>>
    %dma_start3A_42 = arith.constant 0 : i32
    %dma_start3A_43 = tpu.memref_slice %arg5[%dma_start3A_36, %dma_start3A_42] : memref<20x128xi32, #tpu.memory_space<vmem>> -> memref<1x128xi32, #tpu.memory_space<vmem>>
    %dma_start3A_44 = tpu.memref_squeeze %dma_start3A_43 : memref<1x128xi32, #tpu.memory_space<vmem>> -> memref<128xi32, #tpu.memory_space<vmem>>
    %dma_start3A_45 = arith.constant 0 : i32
    %dma_start3A_46 = arith.constant 0 : i32
    %dma_start3A_47 = tpu.memref_slice %arg2[%dma_start3A_45, %dma_start3A_46] : memref<1000000x128xf32, #tpu.memory_space<hbm>> -> memref<1000000x128xf32, #tpu.memory_space<hbm>>
    tpu.enqueue_indirect_dma source(%dma_start3A_47 : memref<1000000x128xf32, #tpu.memory_space<hbm>>) target(%dma_start3A_41 : memref<128x128xf32, #tpu.memory_space<vmem>>) offsets(%dma_start3A_44 : memref<128xi32, #tpu.memory_space<vmem>>) semaphore(%arg9 : memref<!tpu.dma_semaphore, #tpu.memory_space<semaphore_mem>>)
    %dma_wait3A = arith.constant 0 : i32
    %dma_wait3A_48 = arith.constant 0 : i32
    %dma_wait3A_49 = arith.constant 0 : i32
    %dma_wait3A_50 = arith.constant 0 : i32
    %dma_wait3A_51 = tpu.memref_slice %arg6[%dma_wait3A_48, %dma_wait3A_49, %dma_wait3A_50] : memref<2x128x128xf32, #tpu.memory_space<vmem>> -> memref<1x128x128xf32, #tpu.memory_space<vmem>>
    %dma_wait3A_52 = tpu.memref_squeeze %dma_wait3A_51 : memref<1x128x128xf32, #tpu.memory_space<vmem>> -> memref<128x128xf32, #tpu.memory_space<vmem>>
    %dma_wait3A_53 = arith.constant 0 : i32
    %dma_wait3A_54 = tpu.memref_slice %arg5[%dma_wait3A, %dma_wait3A_53] : memref<20x128xi32, #tpu.memory_space<vmem>> -> memref<1x128xi32, #tpu.memory_space<vmem>>
    %dma_wait3A_55 = tpu.memref_squeeze %dma_wait3A_54 : memref<1x128xi32, #tpu.memory_space<vmem>> -> memref<128xi32, #tpu.memory_space<vmem>>
    %dma_wait3A_56 = arith.constant 0 : i32
    %dma_wait3A_57 = arith.constant 0 : i32
    %dma_wait3A_58 = tpu.memref_slice %arg2[%dma_wait3A_56, %dma_wait3A_57] : memref<1000000x128xf32, #tpu.memory_space<hbm>> -> memref<1000000x128xf32, #tpu.memory_space<hbm>>
    tpu.wait_indirect_dma semaphore(%arg8 : memref<!tpu.dma_semaphore, #tpu.memory_space<semaphore_mem>>) src(%dma_wait3A_58 : memref<1000000x128xf32, #tpu.memory_space<hbm>>) dst(%dma_wait3A_52 : memref<128x128xf32, #tpu.memory_space<vmem>>)
    %dma_wait3A_59 = arith.constant 1 : i32
    %dma_wait3A_60 = arith.constant 1 : i32
    %dma_wait3A_61 = arith.constant 0 : i32
    %dma_wait3A_62 = arith.constant 0 : i32
    %dma_wait3A_63 = tpu.memref_slice %arg6[%dma_wait3A_60, %dma_wait3A_61, %dma_wait3A_62] : memref<2x128x128xf32, #tpu.memory_space<vmem>> -> memref<1x128x128xf32, #tpu.memory_space<vmem>>
    %dma_wait3A_64 = tpu.memref_squeeze %dma_wait3A_63 : memref<1x128x128xf32, #tpu.memory_space<vmem>> -> memref<128x128xf32, #tpu.memory_space<vmem>>
    %dma_wait3A_65 = arith.constant 0 : i32
    %dma_wait3A_66 = tpu.memref_slice %arg5[%dma_wait3A_59, %dma_wait3A_65] : memref<20x128xi32, #tpu.memory_space<vmem>> -> memref<1x128xi32, #tpu.memory_space<vmem>>
    %dma_wait3A_67 = tpu.memref_squeeze %dma_wait3A_66 : memref<1x128xi32, #tpu.memory_space<vmem>> -> memref<128xi32, #tpu.memory_space<vmem>>
    %dma_wait3A_68 = arith.constant 0 : i32
    %dma_wait3A_69 = arith.constant 0 : i32
    %dma_wait3A_70 = tpu.memref_slice %arg2[%dma_wait3A_68, %dma_wait3A_69] : memref<1000000x128xf32, #tpu.memory_space<hbm>> -> memref<1000000x128xf32, #tpu.memory_space<hbm>>
    tpu.wait_indirect_dma semaphore(%arg8 : memref<!tpu.dma_semaphore, #tpu.memory_space<semaphore_mem>>) src(%dma_wait3A_70 : memref<1000000x128xf32, #tpu.memory_space<hbm>>) dst(%dma_wait3A_64 : memref<128x128xf32, #tpu.memory_space<vmem>>)
    "tpu.region"() ({
      %run_scoped3A = tpu.sem_alloc : memref<!tpu.dma_semaphore, #tpu.memory_space<semaphore_mem>>
      %dma_start3A_479 = arith.constant 0 : i32
      %dma_start3A_480 = arith.constant 0 : i32
      %dma_start3A_481 = arith.constant 0 : i32
      %dma_start3A_482 = tpu.memref_slice %arg4[%add3A, %dma_start3A_479, %dma_start3A_480, %dma_start3A_481] : memref<32x20x128x128xf32, #tpu.memory_space<hbm>> -> memref<1x2x128x128xf32, #tpu.memory_space<hbm>>
      %dma_start3A_483 = tpu.memref_squeeze %dma_start3A_482 : memref<1x2x128x128xf32, #tpu.memory_space<hbm>> -> memref<2x128x128xf32, #tpu.memory_space<hbm>>
      %dma_start3A_484 = arith.constant 0 : i32
      %dma_start3A_485 = arith.constant 0 : i32
      %dma_start3A_486 = arith.constant 0 : i32
      %dma_start3A_487 = tpu.memref_slice %arg4[%add3A, %dma_start3A_484, %dma_start3A_485, %dma_start3A_486] : memref<32x20x128x128xf32, #tpu.memory_space<hbm>> -> memref<1x2x128x128xf32, #tpu.memory_space<hbm>>
      %dma_start3A_488 = tpu.memref_squeeze %dma_start3A_487 : memref<1x2x128x128xf32, #tpu.memory_space<hbm>> -> memref<2x128x128xf32, #tpu.memory_space<hbm>>
      tpu.enqueue_dma source(%arg6 : memref<2x128x128xf32, #tpu.memory_space<vmem>>) target(%dma_start3A_488 : memref<2x128x128xf32, #tpu.memory_space<hbm>>) target_semaphore(%run_scoped3A : memref<!tpu.dma_semaphore, #tpu.memory_space<semaphore_mem>>)
      %dma_wait3A_489 = arith.constant 0 : i32
      %dma_wait3A_490 = arith.constant 0 : i32
      %dma_wait3A_491 = arith.constant 0 : i32
      %dma_wait3A_492 = tpu.memref_slice %arg4[%add3A, %dma_wait3A_489, %dma_wait3A_490, %dma_wait3A_491] : memref<32x20x128x128xf32, #tpu.memory_space<hbm>> -> memref<1x2x128x128xf32, #tpu.memory_space<hbm>>
      %dma_wait3A_493 = tpu.memref_squeeze %dma_wait3A_492 : memref<1x2x128x128xf32, #tpu.memory_space<hbm>> -> memref<2x128x128xf32, #tpu.memory_space<hbm>>
      %dma_wait3A_494 = arith.constant 0 : i32
      %dma_wait3A_495 = arith.constant 0 : i32
      %dma_wait3A_496 = arith.constant 0 : i32
      %dma_wait3A_497 = tpu.memref_slice %arg4[%add3A, %dma_wait3A_494, %dma_wait3A_495, %dma_wait3A_496] : memref<32x20x128x128xf32, #tpu.memory_space<hbm>> -> memref<1x2x128x128xf32, #tpu.memory_space<hbm>>
      %dma_wait3A_498 = tpu.memref_squeeze %dma_wait3A_497 : memref<1x2x128x128xf32, #tpu.memory_space<hbm>> -> memref<2x128x128xf32, #tpu.memory_space<hbm>>
      tpu.wait_dma2 semaphore(%run_scoped3A : memref<!tpu.dma_semaphore, #tpu.memory_space<semaphore_mem>>) src(%arg6 : memref<2x128x128xf32, #tpu.memory_space<vmem>>) dst(%dma_wait3A_498 : memref<2x128x128xf32, #tpu.memory_space<hbm>>)
      tpu.yield
    }) : () -> ()
    %dma_start3A_71 = arith.constant 4 : i32
    %dma_start3A_72 = arith.constant 0 : i32
    %dma_start3A_73 = arith.constant 0 : i32
    %dma_start3A_74 = arith.constant 0 : i32
    %dma_start3A_75 = tpu.memref_slice %arg6[%dma_start3A_72, %dma_start3A_73, %dma_start3A_74] : memref<2x128x128xf32, #tpu.memory_space<vmem>> -> memref<1x128x128xf32, #tpu.memory_space<vmem>>
    %dma_start3A_76 = tpu.memref_squeeze %dma_start3A_75 : memref<1x128x128xf32, #tpu.memory_space<vmem>> -> memref<128x128xf32, #tpu.memory_space<vmem>>
    %dma_start3A_77 = arith.constant 0 : i32
    %dma_start3A_78 = tpu.memref_slice %arg5[%dma_start3A_71, %dma_start3A_77] : memref<20x128xi32, #tpu.memory_space<vmem>> -> memref<1x128xi32, #tpu.memory_space<vmem>>
    %dma_start3A_79 = tpu.memref_squeeze %dma_start3A_78 : memref<1x128xi32, #tpu.memory_space<vmem>> -> memref<128xi32, #tpu.memory_space<vmem>>
    %dma_start3A_80 = arith.constant 0 : i32
    %dma_start3A_81 = arith.constant 0 : i32
    %dma_start3A_82 = tpu.memref_slice %arg2[%dma_start3A_80, %dma_start3A_81] : memref<1000000x128xf32, #tpu.memory_space<hbm>> -> memref<1000000x128xf32, #tpu.memory_space<hbm>>
    tpu.enqueue_indirect_dma source(%dma_start3A_82 : memref<1000000x128xf32, #tpu.memory_space<hbm>>) target(%dma_start3A_76 : memref<128x128xf32, #tpu.memory_space<vmem>>) offsets(%dma_start3A_79 : memref<128xi32, #tpu.memory_space<vmem>>) semaphore(%arg8 : memref<!tpu.dma_semaphore, #tpu.memory_space<semaphore_mem>>)
    %dma_start3A_83 = arith.constant 5 : i32
    %dma_start3A_84 = arith.constant 1 : i32
    %dma_start3A_85 = arith.constant 0 : i32
    %dma_start3A_86 = arith.constant 0 : i32
    %dma_start3A_87 = tpu.memref_slice %arg6[%dma_start3A_84, %dma_start3A_85, %dma_start3A_86] : memref<2x128x128xf32, #tpu.memory_space<vmem>> -> memref<1x128x128xf32, #tpu.memory_space<vmem>>
    %dma_start3A_88 = tpu.memref_squeeze %dma_start3A_87 : memref<1x128x128xf32, #tpu.memory_space<vmem>> -> memref<128x128xf32, #tpu.memory_space<vmem>>
    %dma_start3A_89 = arith.constant 0 : i32
    %dma_start3A_90 = tpu.memref_slice %arg5[%dma_start3A_83, %dma_start3A_89] : memref<20x128xi32, #tpu.memory_space<vmem>> -> memref<1x128xi32, #tpu.memory_space<vmem>>
    %dma_start3A_91 = tpu.memref_squeeze %dma_start3A_90 : memref<1x128xi32, #tpu.memory_space<vmem>> -> memref<128xi32, #tpu.memory_space<vmem>>
    %dma_start3A_92 = arith.constant 0 : i32
    %dma_start3A_93 = arith.constant 0 : i32
    %dma_start3A_94 = tpu.memref_slice %arg2[%dma_start3A_92, %dma_start3A_93] : memref<1000000x128xf32, #tpu.memory_space<hbm>> -> memref<1000000x128xf32, #tpu.memory_space<hbm>>
    tpu.enqueue_indirect_dma source(%dma_start3A_94 : memref<1000000x128xf32, #tpu.memory_space<hbm>>) target(%dma_start3A_88 : memref<128x128xf32, #tpu.memory_space<vmem>>) offsets(%dma_start3A_91 : memref<128xi32, #tpu.memory_space<vmem>>) semaphore(%arg8 : memref<!tpu.dma_semaphore, #tpu.memory_space<semaphore_mem>>)
    %dma_wait3A_95 = arith.constant 2 : i32
    %dma_wait3A_96 = arith.constant 0 : i32
    %dma_wait3A_97 = arith.constant 0 : i32
    %dma_wait3A_98 = arith.constant 0 : i32
    %dma_wait3A_99 = tpu.memref_slice %arg7[%dma_wait3A_96, %dma_wait3A_97, %dma_wait3A_98] : memref<2x128x128xf32, #tpu.memory_space<vmem>> -> memref<1x128x128xf32, #tpu.memory_space<vmem>>
    %dma_wait3A_100 = tpu.memref_squeeze %dma_wait3A_99 : memref<1x128x128xf32, #tpu.memory_space<vmem>> -> memref<128x128xf32, #tpu.memory_space<vmem>>
    %dma_wait3A_101 = arith.constant 0 : i32
    %dma_wait3A_102 = tpu.memref_slice %arg5[%dma_wait3A_95, %dma_wait3A_101] : memref<20x128xi32, #tpu.memory_space<vmem>> -> memref<1x128xi32, #tpu.memory_space<vmem>>
    %dma_wait3A_103 = tpu.memref_squeeze %dma_wait3A_102 : memref<1x128xi32, #tpu.memory_space<vmem>> -> memref<128xi32, #tpu.memory_space<vmem>>
    %dma_wait3A_104 = arith.constant 0 : i32
    %dma_wait3A_105 = arith.constant 0 : i32
    %dma_wait3A_106 = tpu.memref_slice %arg2[%dma_wait3A_104, %dma_wait3A_105] : memref<1000000x128xf32, #tpu.memory_space<hbm>> -> memref<1000000x128xf32, #tpu.memory_space<hbm>>
    tpu.wait_indirect_dma semaphore(%arg9 : memref<!tpu.dma_semaphore, #tpu.memory_space<semaphore_mem>>) src(%dma_wait3A_106 : memref<1000000x128xf32, #tpu.memory_space<hbm>>) dst(%dma_wait3A_100 : memref<128x128xf32, #tpu.memory_space<vmem>>)
    %dma_wait3A_107 = arith.constant 3 : i32
    %dma_wait3A_108 = arith.constant 1 : i32
    %dma_wait3A_109 = arith.constant 0 : i32
    %dma_wait3A_110 = arith.constant 0 : i32
    %dma_wait3A_111 = tpu.memref_slice %arg7[%dma_wait3A_108, %dma_wait3A_109, %dma_wait3A_110] : memref<2x128x128xf32, #tpu.memory_space<vmem>> -> memref<1x128x128xf32, #tpu.memory_space<vmem>>
    %dma_wait3A_112 = tpu.memref_squeeze %dma_wait3A_111 : memref<1x128x128xf32, #tpu.memory_space<vmem>> -> memref<128x128xf32, #tpu.memory_space<vmem>>
    %dma_wait3A_113 = arith.constant 0 : i32
    %dma_wait3A_114 = tpu.memref_slice %arg5[%dma_wait3A_107, %dma_wait3A_113] : memref<20x128xi32, #tpu.memory_space<vmem>> -> memref<1x128xi32, #tpu.memory_space<vmem>>
    %dma_wait3A_115 = tpu.memref_squeeze %dma_wait3A_114 : memref<1x128xi32, #tpu.memory_space<vmem>> -> memref<128xi32, #tpu.memory_space<vmem>>
    %dma_wait3A_116 = arith.constant 0 : i32
    %dma_wait3A_117 = arith.constant 0 : i32
    %dma_wait3A_118 = tpu.memref_slice %arg2[%dma_wait3A_116, %dma_wait3A_117] : memref<1000000x128xf32, #tpu.memory_space<hbm>> -> memref<1000000x128xf32, #tpu.memory_space<hbm>>
    tpu.wait_indirect_dma semaphore(%arg9 : memref<!tpu.dma_semaphore, #tpu.memory_space<semaphore_mem>>) src(%dma_wait3A_118 : memref<1000000x128xf32, #tpu.memory_space<hbm>>) dst(%dma_wait3A_112 : memref<128x128xf32, #tpu.memory_space<vmem>>)
    "tpu.region"() ({
      %run_scoped3A = tpu.sem_alloc : memref<!tpu.dma_semaphore, #tpu.memory_space<semaphore_mem>>
      %dma_start3A_479 = arith.constant 2 : i32
      %dma_start3A_480 = arith.constant 0 : i32
      %dma_start3A_481 = arith.constant 0 : i32
      %dma_start3A_482 = tpu.memref_slice %arg4[%add3A, %dma_start3A_479, %dma_start3A_480, %dma_start3A_481] : memref<32x20x128x128xf32, #tpu.memory_space<hbm>> -> memref<1x2x128x128xf32, #tpu.memory_space<hbm>>
      %dma_start3A_483 = tpu.memref_squeeze %dma_start3A_482 : memref<1x2x128x128xf32, #tpu.memory_space<hbm>> -> memref<2x128x128xf32, #tpu.memory_space<hbm>>
      %dma_start3A_484 = arith.constant 2 : i32
      %dma_start3A_485 = arith.constant 0 : i32
      %dma_start3A_486 = arith.constant 0 : i32
      %dma_start3A_487 = tpu.memref_slice %arg4[%add3A, %dma_start3A_484, %dma_start3A_485, %dma_start3A_486] : memref<32x20x128x128xf32, #tpu.memory_space<hbm>> -> memref<1x2x128x128xf32, #tpu.memory_space<hbm>>
      %dma_start3A_488 = tpu.memref_squeeze %dma_start3A_487 : memref<1x2x128x128xf32, #tpu.memory_space<hbm>> -> memref<2x128x128xf32, #tpu.memory_space<hbm>>
      tpu.enqueue_dma source(%arg7 : memref<2x128x128xf32, #tpu.memory_space<vmem>>) target(%dma_start3A_488 : memref<2x128x128xf32, #tpu.memory_space<hbm>>) target_semaphore(%run_scoped3A : memref<!tpu.dma_semaphore, #tpu.memory_space<semaphore_mem>>)
      %dma_wait3A_489 = arith.constant 2 : i32
      %dma_wait3A_490 = arith.constant 0 : i32
      %dma_wait3A_491 = arith.constant 0 : i32
      %dma_wait3A_492 = tpu.memref_slice %arg4[%add3A, %dma_wait3A_489, %dma_wait3A_490, %dma_wait3A_491] : memref<32x20x128x128xf32, #tpu.memory_space<hbm>> -> memref<1x2x128x128xf32, #tpu.memory_space<hbm>>
      %dma_wait3A_493 = tpu.memref_squeeze %dma_wait3A_492 : memref<1x2x128x128xf32, #tpu.memory_space<hbm>> -> memref<2x128x128xf32, #tpu.memory_space<hbm>>
      %dma_wait3A_494 = arith.constant 2 : i32
      %dma_wait3A_495 = arith.constant 0 : i32
      %dma_wait3A_496 = arith.constant 0 : i32
      %dma_wait3A_497 = tpu.memref_slice %arg4[%add3A, %dma_wait3A_494, %dma_wait3A_495, %dma_wait3A_496] : memref<32x20x128x128xf32, #tpu.memory_space<hbm>> -> memref<1x2x128x128xf32, #tpu.memory_space<hbm>>
      %dma_wait3A_498 = tpu.memref_squeeze %dma_wait3A_497 : memref<1x2x128x128xf32, #tpu.memory_space<hbm>> -> memref<2x128x128xf32, #tpu.memory_space<hbm>>
      tpu.wait_dma2 semaphore(%run_scoped3A : memref<!tpu.dma_semaphore, #tpu.memory_space<semaphore_mem>>) src(%arg7 : memref<2x128x128xf32, #tpu.memory_space<vmem>>) dst(%dma_wait3A_498 : memref<2x128x128xf32, #tpu.memory_space<hbm>>)
      tpu.yield
    }) : () -> ()
    %dma_start3A_119 = arith.constant 6 : i32
    %dma_start3A_120 = arith.constant 0 : i32
    %dma_start3A_121 = arith.constant 0 : i32
    %dma_start3A_122 = arith.constant 0 : i32
    %dma_start3A_123 = tpu.memref_slice %arg7[%dma_start3A_120, %dma_start3A_121, %dma_start3A_122] : memref<2x128x128xf32, #tpu.memory_space<vmem>> -> memref<1x128x128xf32, #tpu.memory_space<vmem>>
    %dma_start3A_124 = tpu.memref_squeeze %dma_start3A_123 : memref<1x128x128xf32, #tpu.memory_space<vmem>> -> memref<128x128xf32, #tpu.memory_space<vmem>>
    %dma_start3A_125 = arith.constant 0 : i32
    %dma_start3A_126 = tpu.memref_slice %arg5[%dma_start3A_119, %dma_start3A_125] : memref<20x128xi32, #tpu.memory_space<vmem>> -> memref<1x128xi32, #tpu.memory_space<vmem>>
    %dma_start3A_127 = tpu.memref_squeeze %dma_start3A_126 : memref<1x128xi32, #tpu.memory_space<vmem>> -> memref<128xi32, #tpu.memory_space<vmem>>
    %dma_start3A_128 = arith.constant 0 : i32
    %dma_start3A_129 = arith.constant 0 : i32
    %dma_start3A_130 = tpu.memref_slice %arg2[%dma_start3A_128, %dma_start3A_129] : memref<1000000x128xf32, #tpu.memory_space<hbm>> -> memref<1000000x128xf32, #tpu.memory_space<hbm>>
    tpu.enqueue_indirect_dma source(%dma_start3A_130 : memref<1000000x128xf32, #tpu.memory_space<hbm>>) target(%dma_start3A_124 : memref<128x128xf32, #tpu.memory_space<vmem>>) offsets(%dma_start3A_127 : memref<128xi32, #tpu.memory_space<vmem>>) semaphore(%arg9 : memref<!tpu.dma_semaphore, #tpu.memory_space<semaphore_mem>>)
    %dma_start3A_131 = arith.constant 7 : i32
    %dma_start3A_132 = arith.constant 1 : i32
    %dma_start3A_133 = arith.constant 0 : i32
    %dma_start3A_134 = arith.constant 0 : i32
    %dma_start3A_135 = tpu.memref_slice %arg7[%dma_start3A_132, %dma_start3A_133, %dma_start3A_134] : memref<2x128x128xf32, #tpu.memory_space<vmem>> -> memref<1x128x128xf32, #tpu.memory_space<vmem>>
    %dma_start3A_136 = tpu.memref_squeeze %dma_start3A_135 : memref<1x128x128xf32, #tpu.memory_space<vmem>> -> memref<128x128xf32, #tpu.memory_space<vmem>>
    %dma_start3A_137 = arith.constant 0 : i32
    %dma_start3A_138 = tpu.memref_slice %arg5[%dma_start3A_131, %dma_start3A_137] : memref<20x128xi32, #tpu.memory_space<vmem>> -> memref<1x128xi32, #tpu.memory_space<vmem>>
    %dma_start3A_139 = tpu.memref_squeeze %dma_start3A_138 : memref<1x128xi32, #tpu.memory_space<vmem>> -> memref<128xi32, #tpu.memory_space<vmem>>
    %dma_start3A_140 = arith.constant 0 : i32
    %dma_start3A_141 = arith.constant 0 : i32
    %dma_start3A_142 = tpu.memref_slice %arg2[%dma_start3A_140, %dma_start3A_141] : memref<1000000x128xf32, #tpu.memory_space<hbm>> -> memref<1000000x128xf32, #tpu.memory_space<hbm>>
    tpu.enqueue_indirect_dma source(%dma_start3A_142 : memref<1000000x128xf32, #tpu.memory_space<hbm>>) target(%dma_start3A_136 : memref<128x128xf32, #tpu.memory_space<vmem>>) offsets(%dma_start3A_139 : memref<128xi32, #tpu.memory_space<vmem>>) semaphore(%arg9 : memref<!tpu.dma_semaphore, #tpu.memory_space<semaphore_mem>>)
    %dma_wait3A_143 = arith.constant 4 : i32
    %dma_wait3A_144 = arith.constant 0 : i32
    %dma_wait3A_145 = arith.constant 0 : i32
    %dma_wait3A_146 = arith.constant 0 : i32
    %dma_wait3A_147 = tpu.memref_slice %arg6[%dma_wait3A_144, %dma_wait3A_145, %dma_wait3A_146] : memref<2x128x128xf32, #tpu.memory_space<vmem>> -> memref<1x128x128xf32, #tpu.memory_space<vmem>>
    %dma_wait3A_148 = tpu.memref_squeeze %dma_wait3A_147 : memref<1x128x128xf32, #tpu.memory_space<vmem>> -> memref<128x128xf32, #tpu.memory_space<vmem>>
    %dma_wait3A_149 = arith.constant 0 : i32
    %dma_wait3A_150 = tpu.memref_slice %arg5[%dma_wait3A_143, %dma_wait3A_149] : memref<20x128xi32, #tpu.memory_space<vmem>> -> memref<1x128xi32, #tpu.memory_space<vmem>>
    %dma_wait3A_151 = tpu.memref_squeeze %dma_wait3A_150 : memref<1x128xi32, #tpu.memory_space<vmem>> -> memref<128xi32, #tpu.memory_space<vmem>>
    %dma_wait3A_152 = arith.constant 0 : i32
    %dma_wait3A_153 = arith.constant 0 : i32
    %dma_wait3A_154 = tpu.memref_slice %arg2[%dma_wait3A_152, %dma_wait3A_153] : memref<1000000x128xf32, #tpu.memory_space<hbm>> -> memref<1000000x128xf32, #tpu.memory_space<hbm>>
    tpu.wait_indirect_dma semaphore(%arg8 : memref<!tpu.dma_semaphore, #tpu.memory_space<semaphore_mem>>) src(%dma_wait3A_154 : memref<1000000x128xf32, #tpu.memory_space<hbm>>) dst(%dma_wait3A_148 : memref<128x128xf32, #tpu.memory_space<vmem>>)
    %dma_wait3A_155 = arith.constant 5 : i32
    %dma_wait3A_156 = arith.constant 1 : i32
    %dma_wait3A_157 = arith.constant 0 : i32
    %dma_wait3A_158 = arith.constant 0 : i32
    %dma_wait3A_159 = tpu.memref_slice %arg6[%dma_wait3A_156, %dma_wait3A_157, %dma_wait3A_158] : memref<2x128x128xf32, #tpu.memory_space<vmem>> -> memref<1x128x128xf32, #tpu.memory_space<vmem>>
    %dma_wait3A_160 = tpu.memref_squeeze %dma_wait3A_159 : memref<1x128x128xf32, #tpu.memory_space<vmem>> -> memref<128x128xf32, #tpu.memory_space<vmem>>
    %dma_wait3A_161 = arith.constant 0 : i32
    %dma_wait3A_162 = tpu.memref_slice %arg5[%dma_wait3A_155, %dma_wait3A_161] : memref<20x128xi32, #tpu.memory_space<vmem>> -> memref<1x128xi32, #tpu.memory_space<vmem>>
    %dma_wait3A_163 = tpu.memref_squeeze %dma_wait3A_162 : memref<1x128xi32, #tpu.memory_space<vmem>> -> memref<128xi32, #tpu.memory_space<vmem>>
    %dma_wait3A_164 = arith.constant 0 : i32
    %dma_wait3A_165 = arith.constant 0 : i32
    %dma_wait3A_166 = tpu.memref_slice %arg2[%dma_wait3A_164, %dma_wait3A_165] : memref<1000000x128xf32, #tpu.memory_space<hbm>> -> memref<1000000x128xf32, #tpu.memory_space<hbm>>
    tpu.wait_indirect_dma semaphore(%arg8 : memref<!tpu.dma_semaphore, #tpu.memory_space<semaphore_mem>>) src(%dma_wait3A_166 : memref<1000000x128xf32, #tpu.memory_space<hbm>>) dst(%dma_wait3A_160 : memref<128x128xf32, #tpu.memory_space<vmem>>)
    "tpu.region"() ({
      %run_scoped3A = tpu.sem_alloc : memref<!tpu.dma_semaphore, #tpu.memory_space<semaphore_mem>>
      %dma_start3A_479 = arith.constant 4 : i32
      %dma_start3A_480 = arith.constant 0 : i32
      %dma_start3A_481 = arith.constant 0 : i32
      %dma_start3A_482 = tpu.memref_slice %arg4[%add3A, %dma_start3A_479, %dma_start3A_480, %dma_start3A_481] : memref<32x20x128x128xf32, #tpu.memory_space<hbm>> -> memref<1x2x128x128xf32, #tpu.memory_space<hbm>>
      %dma_start3A_483 = tpu.memref_squeeze %dma_start3A_482 : memref<1x2x128x128xf32, #tpu.memory_space<hbm>> -> memref<2x128x128xf32, #tpu.memory_space<hbm>>
      %dma_start3A_484 = arith.constant 4 : i32
      %dma_start3A_485 = arith.constant 0 : i32
      %dma_start3A_486 = arith.constant 0 : i32
      %dma_start3A_487 = tpu.memref_slice %arg4[%add3A, %dma_start3A_484, %dma_start3A_485, %dma_start3A_486] : memref<32x20x128x128xf32, #tpu.memory_space<hbm>> -> memref<1x2x128x128xf32, #tpu.memory_space<hbm>>
      %dma_start3A_488 = tpu.memref_squeeze %dma_start3A_487 : memref<1x2x128x128xf32, #tpu.memory_space<hbm>> -> memref<2x128x128xf32, #tpu.memory_space<hbm>>
      tpu.enqueue_dma source(%arg6 : memref<2x128x128xf32, #tpu.memory_space<vmem>>) target(%dma_start3A_488 : memref<2x128x128xf32, #tpu.memory_space<hbm>>) target_semaphore(%run_scoped3A : memref<!tpu.dma_semaphore, #tpu.memory_space<semaphore_mem>>)
      %dma_wait3A_489 = arith.constant 4 : i32
      %dma_wait3A_490 = arith.constant 0 : i32
      %dma_wait3A_491 = arith.constant 0 : i32
      %dma_wait3A_492 = tpu.memref_slice %arg4[%add3A, %dma_wait3A_489, %dma_wait3A_490, %dma_wait3A_491] : memref<32x20x128x128xf32, #tpu.memory_space<hbm>> -> memref<1x2x128x128xf32, #tpu.memory_space<hbm>>
      %dma_wait3A_493 = tpu.memref_squeeze %dma_wait3A_492 : memref<1x2x128x128xf32, #tpu.memory_space<hbm>> -> memref<2x128x128xf32, #tpu.memory_space<hbm>>
      %dma_wait3A_494 = arith.constant 4 : i32
      %dma_wait3A_495 = arith.constant 0 : i32
      %dma_wait3A_496 = arith.constant 0 : i32
      %dma_wait3A_497 = tpu.memref_slice %arg4[%add3A, %dma_wait3A_494, %dma_wait3A_495, %dma_wait3A_496] : memref<32x20x128x128xf32, #tpu.memory_space<hbm>> -> memref<1x2x128x128xf32, #tpu.memory_space<hbm>>
      %dma_wait3A_498 = tpu.memref_squeeze %dma_wait3A_497 : memref<1x2x128x128xf32, #tpu.memory_space<hbm>> -> memref<2x128x128xf32, #tpu.memory_space<hbm>>
      tpu.wait_dma2 semaphore(%run_scoped3A : memref<!tpu.dma_semaphore, #tpu.memory_space<semaphore_mem>>) src(%arg6 : memref<2x128x128xf32, #tpu.memory_space<vmem>>) dst(%dma_wait3A_498 : memref<2x128x128xf32, #tpu.memory_space<hbm>>)
      tpu.yield
    }) : () -> ()
    %dma_start3A_167 = arith.constant 8 : i32
    %dma_start3A_168 = arith.constant 0 : i32
    %dma_start3A_169 = arith.constant 0 : i32
    %dma_start3A_170 = arith.constant 0 : i32
    %dma_start3A_171 = tpu.memref_slice %arg6[%dma_start3A_168, %dma_start3A_169, %dma_start3A_170] : memref<2x128x128xf32, #tpu.memory_space<vmem>> -> memref<1x128x128xf32, #tpu.memory_space<vmem>>
    %dma_start3A_172 = tpu.memref_squeeze %dma_start3A_171 : memref<1x128x128xf32, #tpu.memory_space<vmem>> -> memref<128x128xf32, #tpu.memory_space<vmem>>
    %dma_start3A_173 = arith.constant 0 : i32
    %dma_start3A_174 = tpu.memref_slice %arg5[%dma_start3A_167, %dma_start3A_173] : memref<20x128xi32, #tpu.memory_space<vmem>> -> memref<1x128xi32, #tpu.memory_space<vmem>>
    %dma_start3A_175 = tpu.memref_squeeze %dma_start3A_174 : memref<1x128xi32, #tpu.memory_space<vmem>> -> memref<128xi32, #tpu.memory_space<vmem>>
    %dma_start3A_176 = arith.constant 0 : i32
    %dma_start3A_177 = arith.constant 0 : i32
    %dma_start3A_178 = tpu.memref_slice %arg2[%dma_start3A_176, %dma_start3A_177] : memref<1000000x128xf32, #tpu.memory_space<hbm>> -> memref<1000000x128xf32, #tpu.memory_space<hbm>>
    tpu.enqueue_indirect_dma source(%dma_start3A_178 : memref<1000000x128xf32, #tpu.memory_space<hbm>>) target(%dma_start3A_172 : memref<128x128xf32, #tpu.memory_space<vmem>>) offsets(%dma_start3A_175 : memref<128xi32, #tpu.memory_space<vmem>>) semaphore(%arg8 : memref<!tpu.dma_semaphore, #tpu.memory_space<semaphore_mem>>)
    %dma_start3A_179 = arith.constant 9 : i32
    %dma_start3A_180 = arith.constant 1 : i32
    %dma_start3A_181 = arith.constant 0 : i32
    %dma_start3A_182 = arith.constant 0 : i32
    %dma_start3A_183 = tpu.memref_slice %arg6[%dma_start3A_180, %dma_start3A_181, %dma_start3A_182] : memref<2x128x128xf32, #tpu.memory_space<vmem>> -> memref<1x128x128xf32, #tpu.memory_space<vmem>>
    %dma_start3A_184 = tpu.memref_squeeze %dma_start3A_183 : memref<1x128x128xf32, #tpu.memory_space<vmem>> -> memref<128x128xf32, #tpu.memory_space<vmem>>
    %dma_start3A_185 = arith.constant 0 : i32
    %dma_start3A_186 = tpu.memref_slice %arg5[%dma_start3A_179, %dma_start3A_185] : memref<20x128xi32, #tpu.memory_space<vmem>> -> memref<1x128xi32, #tpu.memory_space<vmem>>
    %dma_start3A_187 = tpu.memref_squeeze %dma_start3A_186 : memref<1x128xi32, #tpu.memory_space<vmem>> -> memref<128xi32, #tpu.memory_space<vmem>>
    %dma_start3A_188 = arith.constant 0 : i32
    %dma_start3A_189 = arith.constant 0 : i32
    %dma_start3A_190 = tpu.memref_slice %arg2[%dma_start3A_188, %dma_start3A_189] : memref<1000000x128xf32, #tpu.memory_space<hbm>> -> memref<1000000x128xf32, #tpu.memory_space<hbm>>
    tpu.enqueue_indirect_dma source(%dma_start3A_190 : memref<1000000x128xf32, #tpu.memory_space<hbm>>) target(%dma_start3A_184 : memref<128x128xf32, #tpu.memory_space<vmem>>) offsets(%dma_start3A_187 : memref<128xi32, #tpu.memory_space<vmem>>) semaphore(%arg8 : memref<!tpu.dma_semaphore, #tpu.memory_space<semaphore_mem>>)
    %dma_wait3A_191 = arith.constant 6 : i32
    %dma_wait3A_192 = arith.constant 0 : i32
    %dma_wait3A_193 = arith.constant 0 : i32
    %dma_wait3A_194 = arith.constant 0 : i32
    %dma_wait3A_195 = tpu.memref_slice %arg7[%dma_wait3A_192, %dma_wait3A_193, %dma_wait3A_194] : memref<2x128x128xf32, #tpu.memory_space<vmem>> -> memref<1x128x128xf32, #tpu.memory_space<vmem>>
    %dma_wait3A_196 = tpu.memref_squeeze %dma_wait3A_195 : memref<1x128x128xf32, #tpu.memory_space<vmem>> -> memref<128x128xf32, #tpu.memory_space<vmem>>
    %dma_wait3A_197 = arith.constant 0 : i32
    %dma_wait3A_198 = tpu.memref_slice %arg5[%dma_wait3A_191, %dma_wait3A_197] : memref<20x128xi32, #tpu.memory_space<vmem>> -> memref<1x128xi32, #tpu.memory_space<vmem>>
    %dma_wait3A_199 = tpu.memref_squeeze %dma_wait3A_198 : memref<1x128xi32, #tpu.memory_space<vmem>> -> memref<128xi32, #tpu.memory_space<vmem>>
    %dma_wait3A_200 = arith.constant 0 : i32
    %dma_wait3A_201 = arith.constant 0 : i32
    %dma_wait3A_202 = tpu.memref_slice %arg2[%dma_wait3A_200, %dma_wait3A_201] : memref<1000000x128xf32, #tpu.memory_space<hbm>> -> memref<1000000x128xf32, #tpu.memory_space<hbm>>
    tpu.wait_indirect_dma semaphore(%arg9 : memref<!tpu.dma_semaphore, #tpu.memory_space<semaphore_mem>>) src(%dma_wait3A_202 : memref<1000000x128xf32, #tpu.memory_space<hbm>>) dst(%dma_wait3A_196 : memref<128x128xf32, #tpu.memory_space<vmem>>)
    %dma_wait3A_203 = arith.constant 7 : i32
    %dma_wait3A_204 = arith.constant 1 : i32
    %dma_wait3A_205 = arith.constant 0 : i32
    %dma_wait3A_206 = arith.constant 0 : i32
    %dma_wait3A_207 = tpu.memref_slice %arg7[%dma_wait3A_204, %dma_wait3A_205, %dma_wait3A_206] : memref<2x128x128xf32, #tpu.memory_space<vmem>> -> memref<1x128x128xf32, #tpu.memory_space<vmem>>
    %dma_wait3A_208 = tpu.memref_squeeze %dma_wait3A_207 : memref<1x128x128xf32, #tpu.memory_space<vmem>> -> memref<128x128xf32, #tpu.memory_space<vmem>>
    %dma_wait3A_209 = arith.constant 0 : i32
    %dma_wait3A_210 = tpu.memref_slice %arg5[%dma_wait3A_203, %dma_wait3A_209] : memref<20x128xi32, #tpu.memory_space<vmem>> -> memref<1x128xi32, #tpu.memory_space<vmem>>
    %dma_wait3A_211 = tpu.memref_squeeze %dma_wait3A_210 : memref<1x128xi32, #tpu.memory_space<vmem>> -> memref<128xi32, #tpu.memory_space<vmem>>
    %dma_wait3A_212 = arith.constant 0 : i32
    %dma_wait3A_213 = arith.constant 0 : i32
    %dma_wait3A_214 = tpu.memref_slice %arg2[%dma_wait3A_212, %dma_wait3A_213] : memref<1000000x128xf32, #tpu.memory_space<hbm>> -> memref<1000000x128xf32, #tpu.memory_space<hbm>>
    tpu.wait_indirect_dma semaphore(%arg9 : memref<!tpu.dma_semaphore, #tpu.memory_space<semaphore_mem>>) src(%dma_wait3A_214 : memref<1000000x128xf32, #tpu.memory_space<hbm>>) dst(%dma_wait3A_208 : memref<128x128xf32, #tpu.memory_space<vmem>>)
    "tpu.region"() ({
      %run_scoped3A = tpu.sem_alloc : memref<!tpu.dma_semaphore, #tpu.memory_space<semaphore_mem>>
      %dma_start3A_479 = arith.constant 6 : i32
      %dma_start3A_480 = arith.constant 0 : i32
      %dma_start3A_481 = arith.constant 0 : i32
      %dma_start3A_482 = tpu.memref_slice %arg4[%add3A, %dma_start3A_479, %dma_start3A_480, %dma_start3A_481] : memref<32x20x128x128xf32, #tpu.memory_space<hbm>> -> memref<1x2x128x128xf32, #tpu.memory_space<hbm>>
      %dma_start3A_483 = tpu.memref_squeeze %dma_start3A_482 : memref<1x2x128x128xf32, #tpu.memory_space<hbm>> -> memref<2x128x128xf32, #tpu.memory_space<hbm>>
      %dma_start3A_484 = arith.constant 6 : i32
      %dma_start3A_485 = arith.constant 0 : i32
      %dma_start3A_486 = arith.constant 0 : i32
      %dma_start3A_487 = tpu.memref_slice %arg4[%add3A, %dma_start3A_484, %dma_start3A_485, %dma_start3A_486] : memref<32x20x128x128xf32, #tpu.memory_space<hbm>> -> memref<1x2x128x128xf32, #tpu.memory_space<hbm>>
      %dma_start3A_488 = tpu.memref_squeeze %dma_start3A_487 : memref<1x2x128x128xf32, #tpu.memory_space<hbm>> -> memref<2x128x128xf32, #tpu.memory_space<hbm>>
      tpu.enqueue_dma source(%arg7 : memref<2x128x128xf32, #tpu.memory_space<vmem>>) target(%dma_start3A_488 : memref<2x128x128xf32, #tpu.memory_space<hbm>>) target_semaphore(%run_scoped3A : memref<!tpu.dma_semaphore, #tpu.memory_space<semaphore_mem>>)
      %dma_wait3A_489 = arith.constant 6 : i32
      %dma_wait3A_490 = arith.constant 0 : i32
      %dma_wait3A_491 = arith.constant 0 : i32
      %dma_wait3A_492 = tpu.memref_slice %arg4[%add3A, %dma_wait3A_489, %dma_wait3A_490, %dma_wait3A_491] : memref<32x20x128x128xf32, #tpu.memory_space<hbm>> -> memref<1x2x128x128xf32, #tpu.memory_space<hbm>>
      %dma_wait3A_493 = tpu.memref_squeeze %dma_wait3A_492 : memref<1x2x128x128xf32, #tpu.memory_space<hbm>> -> memref<2x128x128xf32, #tpu.memory_space<hbm>>
      %dma_wait3A_494 = arith.constant 6 : i32
      %dma_wait3A_495 = arith.constant 0 : i32
      %dma_wait3A_496 = arith.constant 0 : i32
      %dma_wait3A_497 = tpu.memref_slice %arg4[%add3A, %dma_wait3A_494, %dma_wait3A_495, %dma_wait3A_496] : memref<32x20x128x128xf32, #tpu.memory_space<hbm>> -> memref<1x2x128x128xf32, #tpu.memory_space<hbm>>
      %dma_wait3A_498 = tpu.memref_squeeze %dma_wait3A_497 : memref<1x2x128x128xf32, #tpu.memory_space<hbm>> -> memref<2x128x128xf32, #tpu.memory_space<hbm>>
      tpu.wait_dma2 semaphore(%run_scoped3A : memref<!tpu.dma_semaphore, #tpu.memory_space<semaphore_mem>>) src(%arg7 : memref<2x128x128xf32, #tpu.memory_space<vmem>>) dst(%dma_wait3A_498 : memref<2x128x128xf32, #tpu.memory_space<hbm>>)
      tpu.yield
    }) : () -> ()
    %dma_start3A_215 = arith.constant 10 : i32
    %dma_start3A_216 = arith.constant 0 : i32
    %dma_start3A_217 = arith.constant 0 : i32
    %dma_start3A_218 = arith.constant 0 : i32
    %dma_start3A_219 = tpu.memref_slice %arg7[%dma_start3A_216, %dma_start3A_217, %dma_start3A_218] : memref<2x128x128xf32, #tpu.memory_space<vmem>> -> memref<1x128x128xf32, #tpu.memory_space<vmem>>
    %dma_start3A_220 = tpu.memref_squeeze %dma_start3A_219 : memref<1x128x128xf32, #tpu.memory_space<vmem>> -> memref<128x128xf32, #tpu.memory_space<vmem>>
    %dma_start3A_221 = arith.constant 0 : i32
    %dma_start3A_222 = tpu.memref_slice %arg5[%dma_start3A_215, %dma_start3A_221] : memref<20x128xi32, #tpu.memory_space<vmem>> -> memref<1x128xi32, #tpu.memory_space<vmem>>
    %dma_start3A_223 = tpu.memref_squeeze %dma_start3A_222 : memref<1x128xi32, #tpu.memory_space<vmem>> -> memref<128xi32, #tpu.memory_space<vmem>>
    %dma_start3A_224 = arith.constant 0 : i32
    %dma_start3A_225 = arith.constant 0 : i32
    %dma_start3A_226 = tpu.memref_slice %arg2[%dma_start3A_224, %dma_start3A_225] : memref<1000000x128xf32, #tpu.memory_space<hbm>> -> memref<1000000x128xf32, #tpu.memory_space<hbm>>
    tpu.enqueue_indirect_dma source(%dma_start3A_226 : memref<1000000x128xf32, #tpu.memory_space<hbm>>) target(%dma_start3A_220 : memref<128x128xf32, #tpu.memory_space<vmem>>) offsets(%dma_start3A_223 : memref<128xi32, #tpu.memory_space<vmem>>) semaphore(%arg9 : memref<!tpu.dma_semaphore, #tpu.memory_space<semaphore_mem>>)
    %dma_start3A_227 = arith.constant 11 : i32
    %dma_start3A_228 = arith.constant 1 : i32
    %dma_start3A_229 = arith.constant 0 : i32
    %dma_start3A_230 = arith.constant 0 : i32
    %dma_start3A_231 = tpu.memref_slice %arg7[%dma_start3A_228, %dma_start3A_229, %dma_start3A_230] : memref<2x128x128xf32, #tpu.memory_space<vmem>> -> memref<1x128x128xf32, #tpu.memory_space<vmem>>
    %dma_start3A_232 = tpu.memref_squeeze %dma_start3A_231 : memref<1x128x128xf32, #tpu.memory_space<vmem>> -> memref<128x128xf32, #tpu.memory_space<vmem>>
    %dma_start3A_233 = arith.constant 0 : i32
    %dma_start3A_234 = tpu.memref_slice %arg5[%dma_start3A_227, %dma_start3A_233] : memref<20x128xi32, #tpu.memory_space<vmem>> -> memref<1x128xi32, #tpu.memory_space<vmem>>
    %dma_start3A_235 = tpu.memref_squeeze %dma_start3A_234 : memref<1x128xi32, #tpu.memory_space<vmem>> -> memref<128xi32, #tpu.memory_space<vmem>>
    %dma_start3A_236 = arith.constant 0 : i32
    %dma_start3A_237 = arith.constant 0 : i32
    %dma_start3A_238 = tpu.memref_slice %arg2[%dma_start3A_236, %dma_start3A_237] : memref<1000000x128xf32, #tpu.memory_space<hbm>> -> memref<1000000x128xf32, #tpu.memory_space<hbm>>
    tpu.enqueue_indirect_dma source(%dma_start3A_238 : memref<1000000x128xf32, #tpu.memory_space<hbm>>) target(%dma_start3A_232 : memref<128x128xf32, #tpu.memory_space<vmem>>) offsets(%dma_start3A_235 : memref<128xi32, #tpu.memory_space<vmem>>) semaphore(%arg9 : memref<!tpu.dma_semaphore, #tpu.memory_space<semaphore_mem>>)
    %dma_wait3A_239 = arith.constant 8 : i32
    %dma_wait3A_240 = arith.constant 0 : i32
    %dma_wait3A_241 = arith.constant 0 : i32
    %dma_wait3A_242 = arith.constant 0 : i32
    %dma_wait3A_243 = tpu.memref_slice %arg6[%dma_wait3A_240, %dma_wait3A_241, %dma_wait3A_242] : memref<2x128x128xf32, #tpu.memory_space<vmem>> -> memref<1x128x128xf32, #tpu.memory_space<vmem>>
    %dma_wait3A_244 = tpu.memref_squeeze %dma_wait3A_243 : memref<1x128x128xf32, #tpu.memory_space<vmem>> -> memref<128x128xf32, #tpu.memory_space<vmem>>
    %dma_wait3A_245 = arith.constant 0 : i32
    %dma_wait3A_246 = tpu.memref_slice %arg5[%dma_wait3A_239, %dma_wait3A_245] : memref<20x128xi32, #tpu.memory_space<vmem>> -> memref<1x128xi32, #tpu.memory_space<vmem>>
    %dma_wait3A_247 = tpu.memref_squeeze %dma_wait3A_246 : memref<1x128xi32, #tpu.memory_space<vmem>> -> memref<128xi32, #tpu.memory_space<vmem>>
    %dma_wait3A_248 = arith.constant 0 : i32
    %dma_wait3A_249 = arith.constant 0 : i32
    %dma_wait3A_250 = tpu.memref_slice %arg2[%dma_wait3A_248, %dma_wait3A_249] : memref<1000000x128xf32, #tpu.memory_space<hbm>> -> memref<1000000x128xf32, #tpu.memory_space<hbm>>
    tpu.wait_indirect_dma semaphore(%arg8 : memref<!tpu.dma_semaphore, #tpu.memory_space<semaphore_mem>>) src(%dma_wait3A_250 : memref<1000000x128xf32, #tpu.memory_space<hbm>>) dst(%dma_wait3A_244 : memref<128x128xf32, #tpu.memory_space<vmem>>)
    %dma_wait3A_251 = arith.constant 9 : i32
    %dma_wait3A_252 = arith.constant 1 : i32
    %dma_wait3A_253 = arith.constant 0 : i32
    %dma_wait3A_254 = arith.constant 0 : i32
    %dma_wait3A_255 = tpu.memref_slice %arg6[%dma_wait3A_252, %dma_wait3A_253, %dma_wait3A_254] : memref<2x128x128xf32, #tpu.memory_space<vmem>> -> memref<1x128x128xf32, #tpu.memory_space<vmem>>
    %dma_wait3A_256 = tpu.memref_squeeze %dma_wait3A_255 : memref<1x128x128xf32, #tpu.memory_space<vmem>> -> memref<128x128xf32, #tpu.memory_space<vmem>>
    %dma_wait3A_257 = arith.constant 0 : i32
    %dma_wait3A_258 = tpu.memref_slice %arg5[%dma_wait3A_251, %dma_wait3A_257] : memref<20x128xi32, #tpu.memory_space<vmem>> -> memref<1x128xi32, #tpu.memory_space<vmem>>
    %dma_wait3A_259 = tpu.memref_squeeze %dma_wait3A_258 : memref<1x128xi32, #tpu.memory_space<vmem>> -> memref<128xi32, #tpu.memory_space<vmem>>
    %dma_wait3A_260 = arith.constant 0 : i32
    %dma_wait3A_261 = arith.constant 0 : i32
    %dma_wait3A_262 = tpu.memref_slice %arg2[%dma_wait3A_260, %dma_wait3A_261] : memref<1000000x128xf32, #tpu.memory_space<hbm>> -> memref<1000000x128xf32, #tpu.memory_space<hbm>>
    tpu.wait_indirect_dma semaphore(%arg8 : memref<!tpu.dma_semaphore, #tpu.memory_space<semaphore_mem>>) src(%dma_wait3A_262 : memref<1000000x128xf32, #tpu.memory_space<hbm>>) dst(%dma_wait3A_256 : memref<128x128xf32, #tpu.memory_space<vmem>>)
    "tpu.region"() ({
      %run_scoped3A = tpu.sem_alloc : memref<!tpu.dma_semaphore, #tpu.memory_space<semaphore_mem>>
      %dma_start3A_479 = arith.constant 8 : i32
      %dma_start3A_480 = arith.constant 0 : i32
      %dma_start3A_481 = arith.constant 0 : i32
      %dma_start3A_482 = tpu.memref_slice %arg4[%add3A, %dma_start3A_479, %dma_start3A_480, %dma_start3A_481] : memref<32x20x128x128xf32, #tpu.memory_space<hbm>> -> memref<1x2x128x128xf32, #tpu.memory_space<hbm>>
      %dma_start3A_483 = tpu.memref_squeeze %dma_start3A_482 : memref<1x2x128x128xf32, #tpu.memory_space<hbm>> -> memref<2x128x128xf32, #tpu.memory_space<hbm>>
      %dma_start3A_484 = arith.constant 8 : i32
      %dma_start3A_485 = arith.constant 0 : i32
      %dma_start3A_486 = arith.constant 0 : i32
      %dma_start3A_487 = tpu.memref_slice %arg4[%add3A, %dma_start3A_484, %dma_start3A_485, %dma_start3A_486] : memref<32x20x128x128xf32, #tpu.memory_space<hbm>> -> memref<1x2x128x128xf32, #tpu.memory_space<hbm>>
      %dma_start3A_488 = tpu.memref_squeeze %dma_start3A_487 : memref<1x2x128x128xf32, #tpu.memory_space<hbm>> -> memref<2x128x128xf32, #tpu.memory_space<hbm>>
      tpu.enqueue_dma source(%arg6 : memref<2x128x128xf32, #tpu.memory_space<vmem>>) target(%dma_start3A_488 : memref<2x128x128xf32, #tpu.memory_space<hbm>>) target_semaphore(%run_scoped3A : memref<!tpu.dma_semaphore, #tpu.memory_space<semaphore_mem>>)
      %dma_wait3A_489 = arith.constant 8 : i32
      %dma_wait3A_490 = arith.constant 0 : i32
      %dma_wait3A_491 = arith.constant 0 : i32
      %dma_wait3A_492 = tpu.memref_slice %arg4[%add3A, %dma_wait3A_489, %dma_wait3A_490, %dma_wait3A_491] : memref<32x20x128x128xf32, #tpu.memory_space<hbm>> -> memref<1x2x128x128xf32, #tpu.memory_space<hbm>>
      %dma_wait3A_493 = tpu.memref_squeeze %dma_wait3A_492 : memref<1x2x128x128xf32, #tpu.memory_space<hbm>> -> memref<2x128x128xf32, #tpu.memory_space<hbm>>
      %dma_wait3A_494 = arith.constant 8 : i32
      %dma_wait3A_495 = arith.constant 0 : i32
      %dma_wait3A_496 = arith.constant 0 : i32
      %dma_wait3A_497 = tpu.memref_slice %arg4[%add3A, %dma_wait3A_494, %dma_wait3A_495, %dma_wait3A_496] : memref<32x20x128x128xf32, #tpu.memory_space<hbm>> -> memref<1x2x128x128xf32, #tpu.memory_space<hbm>>
      %dma_wait3A_498 = tpu.memref_squeeze %dma_wait3A_497 : memref<1x2x128x128xf32, #tpu.memory_space<hbm>> -> memref<2x128x128xf32, #tpu.memory_space<hbm>>
      tpu.wait_dma2 semaphore(%run_scoped3A : memref<!tpu.dma_semaphore, #tpu.memory_space<semaphore_mem>>) src(%arg6 : memref<2x128x128xf32, #tpu.memory_space<vmem>>) dst(%dma_wait3A_498 : memref<2x128x128xf32, #tpu.memory_space<hbm>>)
      tpu.yield
    }) : () -> ()
    %dma_start3A_263 = arith.constant 12 : i32
    %dma_start3A_264 = arith.constant 0 : i32
    %dma_start3A_265 = arith.constant 0 : i32
    %dma_start3A_266 = arith.constant 0 : i32
    %dma_start3A_267 = tpu.memref_slice %arg6[%dma_start3A_264, %dma_start3A_265, %dma_start3A_266] : memref<2x128x128xf32, #tpu.memory_space<vmem>> -> memref<1x128x128xf32, #tpu.memory_space<vmem>>
    %dma_start3A_268 = tpu.memref_squeeze %dma_start3A_267 : memref<1x128x128xf32, #tpu.memory_space<vmem>> -> memref<128x128xf32, #tpu.memory_space<vmem>>
    %dma_start3A_269 = arith.constant 0 : i32
    %dma_start3A_270 = tpu.memref_slice %arg5[%dma_start3A_263, %dma_start3A_269] : memref<20x128xi32, #tpu.memory_space<vmem>> -> memref<1x128xi32, #tpu.memory_space<vmem>>
    %dma_start3A_271 = tpu.memref_squeeze %dma_start3A_270 : memref<1x128xi32, #tpu.memory_space<vmem>> -> memref<128xi32, #tpu.memory_space<vmem>>
    %dma_start3A_272 = arith.constant 0 : i32
    %dma_start3A_273 = arith.constant 0 : i32
    %dma_start3A_274 = tpu.memref_slice %arg2[%dma_start3A_272, %dma_start3A_273] : memref<1000000x128xf32, #tpu.memory_space<hbm>> -> memref<1000000x128xf32, #tpu.memory_space<hbm>>
    tpu.enqueue_indirect_dma source(%dma_start3A_274 : memref<1000000x128xf32, #tpu.memory_space<hbm>>) target(%dma_start3A_268 : memref<128x128xf32, #tpu.memory_space<vmem>>) offsets(%dma_start3A_271 : memref<128xi32, #tpu.memory_space<vmem>>) semaphore(%arg8 : memref<!tpu.dma_semaphore, #tpu.memory_space<semaphore_mem>>)
    %dma_start3A_275 = arith.constant 13 : i32
    %dma_start3A_276 = arith.constant 1 : i32
    %dma_start3A_277 = arith.constant 0 : i32
    %dma_start3A_278 = arith.constant 0 : i32
    %dma_start3A_279 = tpu.memref_slice %arg6[%dma_start3A_276, %dma_start3A_277, %dma_start3A_278] : memref<2x128x128xf32, #tpu.memory_space<vmem>> -> memref<1x128x128xf32, #tpu.memory_space<vmem>>
    %dma_start3A_280 = tpu.memref_squeeze %dma_start3A_279 : memref<1x128x128xf32, #tpu.memory_space<vmem>> -> memref<128x128xf32, #tpu.memory_space<vmem>>
    %dma_start3A_281 = arith.constant 0 : i32
    %dma_start3A_282 = tpu.memref_slice %arg5[%dma_start3A_275, %dma_start3A_281] : memref<20x128xi32, #tpu.memory_space<vmem>> -> memref<1x128xi32, #tpu.memory_space<vmem>>
    %dma_start3A_283 = tpu.memref_squeeze %dma_start3A_282 : memref<1x128xi32, #tpu.memory_space<vmem>> -> memref<128xi32, #tpu.memory_space<vmem>>
    %dma_start3A_284 = arith.constant 0 : i32
    %dma_start3A_285 = arith.constant 0 : i32
    %dma_start3A_286 = tpu.memref_slice %arg2[%dma_start3A_284, %dma_start3A_285] : memref<1000000x128xf32, #tpu.memory_space<hbm>> -> memref<1000000x128xf32, #tpu.memory_space<hbm>>
    tpu.enqueue_indirect_dma source(%dma_start3A_286 : memref<1000000x128xf32, #tpu.memory_space<hbm>>) target(%dma_start3A_280 : memref<128x128xf32, #tpu.memory_space<vmem>>) offsets(%dma_start3A_283 : memref<128xi32, #tpu.memory_space<vmem>>) semaphore(%arg8 : memref<!tpu.dma_semaphore, #tpu.memory_space<semaphore_mem>>)
    %dma_wait3A_287 = arith.constant 10 : i32
    %dma_wait3A_288 = arith.constant 0 : i32
    %dma_wait3A_289 = arith.constant 0 : i32
    %dma_wait3A_290 = arith.constant 0 : i32
    %dma_wait3A_291 = tpu.memref_slice %arg7[%dma_wait3A_288, %dma_wait3A_289, %dma_wait3A_290] : memref<2x128x128xf32, #tpu.memory_space<vmem>> -> memref<1x128x128xf32, #tpu.memory_space<vmem>>
    %dma_wait3A_292 = tpu.memref_squeeze %dma_wait3A_291 : memref<1x128x128xf32, #tpu.memory_space<vmem>> -> memref<128x128xf32, #tpu.memory_space<vmem>>
    %dma_wait3A_293 = arith.constant 0 : i32
    %dma_wait3A_294 = tpu.memref_slice %arg5[%dma_wait3A_287, %dma_wait3A_293] : memref<20x128xi32, #tpu.memory_space<vmem>> -> memref<1x128xi32, #tpu.memory_space<vmem>>
    %dma_wait3A_295 = tpu.memref_squeeze %dma_wait3A_294 : memref<1x128xi32, #tpu.memory_space<vmem>> -> memref<128xi32, #tpu.memory_space<vmem>>
    %dma_wait3A_296 = arith.constant 0 : i32
    %dma_wait3A_297 = arith.constant 0 : i32
    %dma_wait3A_298 = tpu.memref_slice %arg2[%dma_wait3A_296, %dma_wait3A_297] : memref<1000000x128xf32, #tpu.memory_space<hbm>> -> memref<1000000x128xf32, #tpu.memory_space<hbm>>
    tpu.wait_indirect_dma semaphore(%arg9 : memref<!tpu.dma_semaphore, #tpu.memory_space<semaphore_mem>>) src(%dma_wait3A_298 : memref<1000000x128xf32, #tpu.memory_space<hbm>>) dst(%dma_wait3A_292 : memref<128x128xf32, #tpu.memory_space<vmem>>)
    %dma_wait3A_299 = arith.constant 11 : i32
    %dma_wait3A_300 = arith.constant 1 : i32
    %dma_wait3A_301 = arith.constant 0 : i32
    %dma_wait3A_302 = arith.constant 0 : i32
    %dma_wait3A_303 = tpu.memref_slice %arg7[%dma_wait3A_300, %dma_wait3A_301, %dma_wait3A_302] : memref<2x128x128xf32, #tpu.memory_space<vmem>> -> memref<1x128x128xf32, #tpu.memory_space<vmem>>
    %dma_wait3A_304 = tpu.memref_squeeze %dma_wait3A_303 : memref<1x128x128xf32, #tpu.memory_space<vmem>> -> memref<128x128xf32, #tpu.memory_space<vmem>>
    %dma_wait3A_305 = arith.constant 0 : i32
    %dma_wait3A_306 = tpu.memref_slice %arg5[%dma_wait3A_299, %dma_wait3A_305] : memref<20x128xi32, #tpu.memory_space<vmem>> -> memref<1x128xi32, #tpu.memory_space<vmem>>
    %dma_wait3A_307 = tpu.memref_squeeze %dma_wait3A_306 : memref<1x128xi32, #tpu.memory_space<vmem>> -> memref<128xi32, #tpu.memory_space<vmem>>
    %dma_wait3A_308 = arith.constant 0 : i32
    %dma_wait3A_309 = arith.constant 0 : i32
    %dma_wait3A_310 = tpu.memref_slice %arg2[%dma_wait3A_308, %dma_wait3A_309] : memref<1000000x128xf32, #tpu.memory_space<hbm>> -> memref<1000000x128xf32, #tpu.memory_space<hbm>>
    tpu.wait_indirect_dma semaphore(%arg9 : memref<!tpu.dma_semaphore, #tpu.memory_space<semaphore_mem>>) src(%dma_wait3A_310 : memref<1000000x128xf32, #tpu.memory_space<hbm>>) dst(%dma_wait3A_304 : memref<128x128xf32, #tpu.memory_space<vmem>>)
    "tpu.region"() ({
      %run_scoped3A = tpu.sem_alloc : memref<!tpu.dma_semaphore, #tpu.memory_space<semaphore_mem>>
      %dma_start3A_479 = arith.constant 10 : i32
      %dma_start3A_480 = arith.constant 0 : i32
      %dma_start3A_481 = arith.constant 0 : i32
      %dma_start3A_482 = tpu.memref_slice %arg4[%add3A, %dma_start3A_479, %dma_start3A_480, %dma_start3A_481] : memref<32x20x128x128xf32, #tpu.memory_space<hbm>> -> memref<1x2x128x128xf32, #tpu.memory_space<hbm>>
      %dma_start3A_483 = tpu.memref_squeeze %dma_start3A_482 : memref<1x2x128x128xf32, #tpu.memory_space<hbm>> -> memref<2x128x128xf32, #tpu.memory_space<hbm>>
      %dma_start3A_484 = arith.constant 10 : i32
      %dma_start3A_485 = arith.constant 0 : i32
      %dma_start3A_486 = arith.constant 0 : i32
      %dma_start3A_487 = tpu.memref_slice %arg4[%add3A, %dma_start3A_484, %dma_start3A_485, %dma_start3A_486] : memref<32x20x128x128xf32, #tpu.memory_space<hbm>> -> memref<1x2x128x128xf32, #tpu.memory_space<hbm>>
      %dma_start3A_488 = tpu.memref_squeeze %dma_start3A_487 : memref<1x2x128x128xf32, #tpu.memory_space<hbm>> -> memref<2x128x128xf32, #tpu.memory_space<hbm>>
      tpu.enqueue_dma source(%arg7 : memref<2x128x128xf32, #tpu.memory_space<vmem>>) target(%dma_start3A_488 : memref<2x128x128xf32, #tpu.memory_space<hbm>>) target_semaphore(%run_scoped3A : memref<!tpu.dma_semaphore, #tpu.memory_space<semaphore_mem>>)
      %dma_wait3A_489 = arith.constant 10 : i32
      %dma_wait3A_490 = arith.constant 0 : i32
      %dma_wait3A_491 = arith.constant 0 : i32
      %dma_wait3A_492 = tpu.memref_slice %arg4[%add3A, %dma_wait3A_489, %dma_wait3A_490, %dma_wait3A_491] : memref<32x20x128x128xf32, #tpu.memory_space<hbm>> -> memref<1x2x128x128xf32, #tpu.memory_space<hbm>>
      %dma_wait3A_493 = tpu.memref_squeeze %dma_wait3A_492 : memref<1x2x128x128xf32, #tpu.memory_space<hbm>> -> memref<2x128x128xf32, #tpu.memory_space<hbm>>
      %dma_wait3A_494 = arith.constant 10 : i32
      %dma_wait3A_495 = arith.constant 0 : i32
      %dma_wait3A_496 = arith.constant 0 : i32
      %dma_wait3A_497 = tpu.memref_slice %arg4[%add3A, %dma_wait3A_494, %dma_wait3A_495, %dma_wait3A_496] : memref<32x20x128x128xf32, #tpu.memory_space<hbm>> -> memref<1x2x128x128xf32, #tpu.memory_space<hbm>>
      %dma_wait3A_498 = tpu.memref_squeeze %dma_wait3A_497 : memref<1x2x128x128xf32, #tpu.memory_space<hbm>> -> memref<2x128x128xf32, #tpu.memory_space<hbm>>
      tpu.wait_dma2 semaphore(%run_scoped3A : memref<!tpu.dma_semaphore, #tpu.memory_space<semaphore_mem>>) src(%arg7 : memref<2x128x128xf32, #tpu.memory_space<vmem>>) dst(%dma_wait3A_498 : memref<2x128x128xf32, #tpu.memory_space<hbm>>)
      tpu.yield
    }) : () -> ()
    %dma_start3A_311 = arith.constant 14 : i32
    %dma_start3A_312 = arith.constant 0 : i32
    %dma_start3A_313 = arith.constant 0 : i32
    %dma_start3A_314 = arith.constant 0 : i32
    %dma_start3A_315 = tpu.memref_slice %arg7[%dma_start3A_312, %dma_start3A_313, %dma_start3A_314] : memref<2x128x128xf32, #tpu.memory_space<vmem>> -> memref<1x128x128xf32, #tpu.memory_space<vmem>>
    %dma_start3A_316 = tpu.memref_squeeze %dma_start3A_315 : memref<1x128x128xf32, #tpu.memory_space<vmem>> -> memref<128x128xf32, #tpu.memory_space<vmem>>
    %dma_start3A_317 = arith.constant 0 : i32
    %dma_start3A_318 = tpu.memref_slice %arg5[%dma_start3A_311, %dma_start3A_317] : memref<20x128xi32, #tpu.memory_space<vmem>> -> memref<1x128xi32, #tpu.memory_space<vmem>>
    %dma_start3A_319 = tpu.memref_squeeze %dma_start3A_318 : memref<1x128xi32, #tpu.memory_space<vmem>> -> memref<128xi32, #tpu.memory_space<vmem>>
    %dma_start3A_320 = arith.constant 0 : i32
    %dma_start3A_321 = arith.constant 0 : i32
    %dma_start3A_322 = tpu.memref_slice %arg2[%dma_start3A_320, %dma_start3A_321] : memref<1000000x128xf32, #tpu.memory_space<hbm>> -> memref<1000000x128xf32, #tpu.memory_space<hbm>>
    tpu.enqueue_indirect_dma source(%dma_start3A_322 : memref<1000000x128xf32, #tpu.memory_space<hbm>>) target(%dma_start3A_316 : memref<128x128xf32, #tpu.memory_space<vmem>>) offsets(%dma_start3A_319 : memref<128xi32, #tpu.memory_space<vmem>>) semaphore(%arg9 : memref<!tpu.dma_semaphore, #tpu.memory_space<semaphore_mem>>)
    %dma_start3A_323 = arith.constant 15 : i32
    %dma_start3A_324 = arith.constant 1 : i32
    %dma_start3A_325 = arith.constant 0 : i32
    %dma_start3A_326 = arith.constant 0 : i32
    %dma_start3A_327 = tpu.memref_slice %arg7[%dma_start3A_324, %dma_start3A_325, %dma_start3A_326] : memref<2x128x128xf32, #tpu.memory_space<vmem>> -> memref<1x128x128xf32, #tpu.memory_space<vmem>>
    %dma_start3A_328 = tpu.memref_squeeze %dma_start3A_327 : memref<1x128x128xf32, #tpu.memory_space<vmem>> -> memref<128x128xf32, #tpu.memory_space<vmem>>
    %dma_start3A_329 = arith.constant 0 : i32
    %dma_start3A_330 = tpu.memref_slice %arg5[%dma_start3A_323, %dma_start3A_329] : memref<20x128xi32, #tpu.memory_space<vmem>> -> memref<1x128xi32, #tpu.memory_space<vmem>>
    %dma_start3A_331 = tpu.memref_squeeze %dma_start3A_330 : memref<1x128xi32, #tpu.memory_space<vmem>> -> memref<128xi32, #tpu.memory_space<vmem>>
    %dma_start3A_332 = arith.constant 0 : i32
    %dma_start3A_333 = arith.constant 0 : i32
    %dma_start3A_334 = tpu.memref_slice %arg2[%dma_start3A_332, %dma_start3A_333] : memref<1000000x128xf32, #tpu.memory_space<hbm>> -> memref<1000000x128xf32, #tpu.memory_space<hbm>>
    tpu.enqueue_indirect_dma source(%dma_start3A_334 : memref<1000000x128xf32, #tpu.memory_space<hbm>>) target(%dma_start3A_328 : memref<128x128xf32, #tpu.memory_space<vmem>>) offsets(%dma_start3A_331 : memref<128xi32, #tpu.memory_space<vmem>>) semaphore(%arg9 : memref<!tpu.dma_semaphore, #tpu.memory_space<semaphore_mem>>)
    %dma_wait3A_335 = arith.constant 12 : i32
    %dma_wait3A_336 = arith.constant 0 : i32
    %dma_wait3A_337 = arith.constant 0 : i32
    %dma_wait3A_338 = arith.constant 0 : i32
    %dma_wait3A_339 = tpu.memref_slice %arg6[%dma_wait3A_336, %dma_wait3A_337, %dma_wait3A_338] : memref<2x128x128xf32, #tpu.memory_space<vmem>> -> memref<1x128x128xf32, #tpu.memory_space<vmem>>
    %dma_wait3A_340 = tpu.memref_squeeze %dma_wait3A_339 : memref<1x128x128xf32, #tpu.memory_space<vmem>> -> memref<128x128xf32, #tpu.memory_space<vmem>>
    %dma_wait3A_341 = arith.constant 0 : i32
    %dma_wait3A_342 = tpu.memref_slice %arg5[%dma_wait3A_335, %dma_wait3A_341] : memref<20x128xi32, #tpu.memory_space<vmem>> -> memref<1x128xi32, #tpu.memory_space<vmem>>
    %dma_wait3A_343 = tpu.memref_squeeze %dma_wait3A_342 : memref<1x128xi32, #tpu.memory_space<vmem>> -> memref<128xi32, #tpu.memory_space<vmem>>
    %dma_wait3A_344 = arith.constant 0 : i32
    %dma_wait3A_345 = arith.constant 0 : i32
    %dma_wait3A_346 = tpu.memref_slice %arg2[%dma_wait3A_344, %dma_wait3A_345] : memref<1000000x128xf32, #tpu.memory_space<hbm>> -> memref<1000000x128xf32, #tpu.memory_space<hbm>>
    tpu.wait_indirect_dma semaphore(%arg8 : memref<!tpu.dma_semaphore, #tpu.memory_space<semaphore_mem>>) src(%dma_wait3A_346 : memref<1000000x128xf32, #tpu.memory_space<hbm>>) dst(%dma_wait3A_340 : memref<128x128xf32, #tpu.memory_space<vmem>>)
    %dma_wait3A_347 = arith.constant 13 : i32
    %dma_wait3A_348 = arith.constant 1 : i32
    %dma_wait3A_349 = arith.constant 0 : i32
    %dma_wait3A_350 = arith.constant 0 : i32
    %dma_wait3A_351 = tpu.memref_slice %arg6[%dma_wait3A_348, %dma_wait3A_349, %dma_wait3A_350] : memref<2x128x128xf32, #tpu.memory_space<vmem>> -> memref<1x128x128xf32, #tpu.memory_space<vmem>>
    %dma_wait3A_352 = tpu.memref_squeeze %dma_wait3A_351 : memref<1x128x128xf32, #tpu.memory_space<vmem>> -> memref<128x128xf32, #tpu.memory_space<vmem>>
    %dma_wait3A_353 = arith.constant 0 : i32
    %dma_wait3A_354 = tpu.memref_slice %arg5[%dma_wait3A_347, %dma_wait3A_353] : memref<20x128xi32, #tpu.memory_space<vmem>> -> memref<1x128xi32, #tpu.memory_space<vmem>>
    %dma_wait3A_355 = tpu.memref_squeeze %dma_wait3A_354 : memref<1x128xi32, #tpu.memory_space<vmem>> -> memref<128xi32, #tpu.memory_space<vmem>>
    %dma_wait3A_356 = arith.constant 0 : i32
    %dma_wait3A_357 = arith.constant 0 : i32
    %dma_wait3A_358 = tpu.memref_slice %arg2[%dma_wait3A_356, %dma_wait3A_357] : memref<1000000x128xf32, #tpu.memory_space<hbm>> -> memref<1000000x128xf32, #tpu.memory_space<hbm>>
    tpu.wait_indirect_dma semaphore(%arg8 : memref<!tpu.dma_semaphore, #tpu.memory_space<semaphore_mem>>) src(%dma_wait3A_358 : memref<1000000x128xf32, #tpu.memory_space<hbm>>) dst(%dma_wait3A_352 : memref<128x128xf32, #tpu.memory_space<vmem>>)
    "tpu.region"() ({
      %run_scoped3A = tpu.sem_alloc : memref<!tpu.dma_semaphore, #tpu.memory_space<semaphore_mem>>
      %dma_start3A_479 = arith.constant 12 : i32
      %dma_start3A_480 = arith.constant 0 : i32
      %dma_start3A_481 = arith.constant 0 : i32
      %dma_start3A_482 = tpu.memref_slice %arg4[%add3A, %dma_start3A_479, %dma_start3A_480, %dma_start3A_481] : memref<32x20x128x128xf32, #tpu.memory_space<hbm>> -> memref<1x2x128x128xf32, #tpu.memory_space<hbm>>
      %dma_start3A_483 = tpu.memref_squeeze %dma_start3A_482 : memref<1x2x128x128xf32, #tpu.memory_space<hbm>> -> memref<2x128x128xf32, #tpu.memory_space<hbm>>
      %dma_start3A_484 = arith.constant 12 : i32
      %dma_start3A_485 = arith.constant 0 : i32
      %dma_start3A_486 = arith.constant 0 : i32
      %dma_start3A_487 = tpu.memref_slice %arg4[%add3A, %dma_start3A_484, %dma_start3A_485, %dma_start3A_486] : memref<32x20x128x128xf32, #tpu.memory_space<hbm>> -> memref<1x2x128x128xf32, #tpu.memory_space<hbm>>
      %dma_start3A_488 = tpu.memref_squeeze %dma_start3A_487 : memref<1x2x128x128xf32, #tpu.memory_space<hbm>> -> memref<2x128x128xf32, #tpu.memory_space<hbm>>
      tpu.enqueue_dma source(%arg6 : memref<2x128x128xf32, #tpu.memory_space<vmem>>) target(%dma_start3A_488 : memref<2x128x128xf32, #tpu.memory_space<hbm>>) target_semaphore(%run_scoped3A : memref<!tpu.dma_semaphore, #tpu.memory_space<semaphore_mem>>)
      %dma_wait3A_489 = arith.constant 12 : i32
      %dma_wait3A_490 = arith.constant 0 : i32
      %dma_wait3A_491 = arith.constant 0 : i32
      %dma_wait3A_492 = tpu.memref_slice %arg4[%add3A, %dma_wait3A_489, %dma_wait3A_490, %dma_wait3A_491] : memref<32x20x128x128xf32, #tpu.memory_space<hbm>> -> memref<1x2x128x128xf32, #tpu.memory_space<hbm>>
      %dma_wait3A_493 = tpu.memref_squeeze %dma_wait3A_492 : memref<1x2x128x128xf32, #tpu.memory_space<hbm>> -> memref<2x128x128xf32, #tpu.memory_space<hbm>>
      %dma_wait3A_494 = arith.constant 12 : i32
      %dma_wait3A_495 = arith.constant 0 : i32
      %dma_wait3A_496 = arith.constant 0 : i32
      %dma_wait3A_497 = tpu.memref_slice %arg4[%add3A, %dma_wait3A_494, %dma_wait3A_495, %dma_wait3A_496] : memref<32x20x128x128xf32, #tpu.memory_space<hbm>> -> memref<1x2x128x128xf32, #tpu.memory_space<hbm>>
      %dma_wait3A_498 = tpu.memref_squeeze %dma_wait3A_497 : memref<1x2x128x128xf32, #tpu.memory_space<hbm>> -> memref<2x128x128xf32, #tpu.memory_space<hbm>>
      tpu.wait_dma2 semaphore(%run_scoped3A : memref<!tpu.dma_semaphore, #tpu.memory_space<semaphore_mem>>) src(%arg6 : memref<2x128x128xf32, #tpu.memory_space<vmem>>) dst(%dma_wait3A_498 : memref<2x128x128xf32, #tpu.memory_space<hbm>>)
      tpu.yield
    }) : () -> ()
    %dma_start3A_359 = arith.constant 16 : i32
    %dma_start3A_360 = arith.constant 0 : i32
    %dma_start3A_361 = arith.constant 0 : i32
    %dma_start3A_362 = arith.constant 0 : i32
    %dma_start3A_363 = tpu.memref_slice %arg6[%dma_start3A_360, %dma_start3A_361, %dma_start3A_362] : memref<2x128x128xf32, #tpu.memory_space<vmem>> -> memref<1x128x128xf32, #tpu.memory_space<vmem>>
    %dma_start3A_364 = tpu.memref_squeeze %dma_start3A_363 : memref<1x128x128xf32, #tpu.memory_space<vmem>> -> memref<128x128xf32, #tpu.memory_space<vmem>>
    %dma_start3A_365 = arith.constant 0 : i32
    %dma_start3A_366 = tpu.memref_slice %arg5[%dma_start3A_359, %dma_start3A_365] : memref<20x128xi32, #tpu.memory_space<vmem>> -> memref<1x128xi32, #tpu.memory_space<vmem>>
    %dma_start3A_367 = tpu.memref_squeeze %dma_start3A_366 : memref<1x128xi32, #tpu.memory_space<vmem>> -> memref<128xi32, #tpu.memory_space<vmem>>
    %dma_start3A_368 = arith.constant 0 : i32
    %dma_start3A_369 = arith.constant 0 : i32
    %dma_start3A_370 = tpu.memref_slice %arg2[%dma_start3A_368, %dma_start3A_369] : memref<1000000x128xf32, #tpu.memory_space<hbm>> -> memref<1000000x128xf32, #tpu.memory_space<hbm>>
    tpu.enqueue_indirect_dma source(%dma_start3A_370 : memref<1000000x128xf32, #tpu.memory_space<hbm>>) target(%dma_start3A_364 : memref<128x128xf32, #tpu.memory_space<vmem>>) offsets(%dma_start3A_367 : memref<128xi32, #tpu.memory_space<vmem>>) semaphore(%arg8 : memref<!tpu.dma_semaphore, #tpu.memory_space<semaphore_mem>>)
    %dma_start3A_371 = arith.constant 17 : i32
    %dma_start3A_372 = arith.constant 1 : i32
    %dma_start3A_373 = arith.constant 0 : i32
    %dma_start3A_374 = arith.constant 0 : i32
    %dma_start3A_375 = tpu.memref_slice %arg6[%dma_start3A_372, %dma_start3A_373, %dma_start3A_374] : memref<2x128x128xf32, #tpu.memory_space<vmem>> -> memref<1x128x128xf32, #tpu.memory_space<vmem>>
    %dma_start3A_376 = tpu.memref_squeeze %dma_start3A_375 : memref<1x128x128xf32, #tpu.memory_space<vmem>> -> memref<128x128xf32, #tpu.memory_space<vmem>>
    %dma_start3A_377 = arith.constant 0 : i32
    %dma_start3A_378 = tpu.memref_slice %arg5[%dma_start3A_371, %dma_start3A_377] : memref<20x128xi32, #tpu.memory_space<vmem>> -> memref<1x128xi32, #tpu.memory_space<vmem>>
    %dma_start3A_379 = tpu.memref_squeeze %dma_start3A_378 : memref<1x128xi32, #tpu.memory_space<vmem>> -> memref<128xi32, #tpu.memory_space<vmem>>
    %dma_start3A_380 = arith.constant 0 : i32
    %dma_start3A_381 = arith.constant 0 : i32
    %dma_start3A_382 = tpu.memref_slice %arg2[%dma_start3A_380, %dma_start3A_381] : memref<1000000x128xf32, #tpu.memory_space<hbm>> -> memref<1000000x128xf32, #tpu.memory_space<hbm>>
    tpu.enqueue_indirect_dma source(%dma_start3A_382 : memref<1000000x128xf32, #tpu.memory_space<hbm>>) target(%dma_start3A_376 : memref<128x128xf32, #tpu.memory_space<vmem>>) offsets(%dma_start3A_379 : memref<128xi32, #tpu.memory_space<vmem>>) semaphore(%arg8 : memref<!tpu.dma_semaphore, #tpu.memory_space<semaphore_mem>>)
    %dma_wait3A_383 = arith.constant 14 : i32
    %dma_wait3A_384 = arith.constant 0 : i32
    %dma_wait3A_385 = arith.constant 0 : i32
    %dma_wait3A_386 = arith.constant 0 : i32
    %dma_wait3A_387 = tpu.memref_slice %arg7[%dma_wait3A_384, %dma_wait3A_385, %dma_wait3A_386] : memref<2x128x128xf32, #tpu.memory_space<vmem>> -> memref<1x128x128xf32, #tpu.memory_space<vmem>>
    %dma_wait3A_388 = tpu.memref_squeeze %dma_wait3A_387 : memref<1x128x128xf32, #tpu.memory_space<vmem>> -> memref<128x128xf32, #tpu.memory_space<vmem>>
    %dma_wait3A_389 = arith.constant 0 : i32
    %dma_wait3A_390 = tpu.memref_slice %arg5[%dma_wait3A_383, %dma_wait3A_389] : memref<20x128xi32, #tpu.memory_space<vmem>> -> memref<1x128xi32, #tpu.memory_space<vmem>>
    %dma_wait3A_391 = tpu.memref_squeeze %dma_wait3A_390 : memref<1x128xi32, #tpu.memory_space<vmem>> -> memref<128xi32, #tpu.memory_space<vmem>>
    %dma_wait3A_392 = arith.constant 0 : i32
    %dma_wait3A_393 = arith.constant 0 : i32
    %dma_wait3A_394 = tpu.memref_slice %arg2[%dma_wait3A_392, %dma_wait3A_393] : memref<1000000x128xf32, #tpu.memory_space<hbm>> -> memref<1000000x128xf32, #tpu.memory_space<hbm>>
    tpu.wait_indirect_dma semaphore(%arg9 : memref<!tpu.dma_semaphore, #tpu.memory_space<semaphore_mem>>) src(%dma_wait3A_394 : memref<1000000x128xf32, #tpu.memory_space<hbm>>) dst(%dma_wait3A_388 : memref<128x128xf32, #tpu.memory_space<vmem>>)
    %dma_wait3A_395 = arith.constant 15 : i32
    %dma_wait3A_396 = arith.constant 1 : i32
    %dma_wait3A_397 = arith.constant 0 : i32
    %dma_wait3A_398 = arith.constant 0 : i32
    %dma_wait3A_399 = tpu.memref_slice %arg7[%dma_wait3A_396, %dma_wait3A_397, %dma_wait3A_398] : memref<2x128x128xf32, #tpu.memory_space<vmem>> -> memref<1x128x128xf32, #tpu.memory_space<vmem>>
    %dma_wait3A_400 = tpu.memref_squeeze %dma_wait3A_399 : memref<1x128x128xf32, #tpu.memory_space<vmem>> -> memref<128x128xf32, #tpu.memory_space<vmem>>
    %dma_wait3A_401 = arith.constant 0 : i32
    %dma_wait3A_402 = tpu.memref_slice %arg5[%dma_wait3A_395, %dma_wait3A_401] : memref<20x128xi32, #tpu.memory_space<vmem>> -> memref<1x128xi32, #tpu.memory_space<vmem>>
    %dma_wait3A_403 = tpu.memref_squeeze %dma_wait3A_402 : memref<1x128xi32, #tpu.memory_space<vmem>> -> memref<128xi32, #tpu.memory_space<vmem>>
    %dma_wait3A_404 = arith.constant 0 : i32
    %dma_wait3A_405 = arith.constant 0 : i32
    %dma_wait3A_406 = tpu.memref_slice %arg2[%dma_wait3A_404, %dma_wait3A_405] : memref<1000000x128xf32, #tpu.memory_space<hbm>> -> memref<1000000x128xf32, #tpu.memory_space<hbm>>
    tpu.wait_indirect_dma semaphore(%arg9 : memref<!tpu.dma_semaphore, #tpu.memory_space<semaphore_mem>>) src(%dma_wait3A_406 : memref<1000000x128xf32, #tpu.memory_space<hbm>>) dst(%dma_wait3A_400 : memref<128x128xf32, #tpu.memory_space<vmem>>)
    "tpu.region"() ({
      %run_scoped3A = tpu.sem_alloc : memref<!tpu.dma_semaphore, #tpu.memory_space<semaphore_mem>>
      %dma_start3A_479 = arith.constant 14 : i32
      %dma_start3A_480 = arith.constant 0 : i32
      %dma_start3A_481 = arith.constant 0 : i32
      %dma_start3A_482 = tpu.memref_slice %arg4[%add3A, %dma_start3A_479, %dma_start3A_480, %dma_start3A_481] : memref<32x20x128x128xf32, #tpu.memory_space<hbm>> -> memref<1x2x128x128xf32, #tpu.memory_space<hbm>>
      %dma_start3A_483 = tpu.memref_squeeze %dma_start3A_482 : memref<1x2x128x128xf32, #tpu.memory_space<hbm>> -> memref<2x128x128xf32, #tpu.memory_space<hbm>>
      %dma_start3A_484 = arith.constant 14 : i32
      %dma_start3A_485 = arith.constant 0 : i32
      %dma_start3A_486 = arith.constant 0 : i32
      %dma_start3A_487 = tpu.memref_slice %arg4[%add3A, %dma_start3A_484, %dma_start3A_485, %dma_start3A_486] : memref<32x20x128x128xf32, #tpu.memory_space<hbm>> -> memref<1x2x128x128xf32, #tpu.memory_space<hbm>>
      %dma_start3A_488 = tpu.memref_squeeze %dma_start3A_487 : memref<1x2x128x128xf32, #tpu.memory_space<hbm>> -> memref<2x128x128xf32, #tpu.memory_space<hbm>>
      tpu.enqueue_dma source(%arg7 : memref<2x128x128xf32, #tpu.memory_space<vmem>>) target(%dma_start3A_488 : memref<2x128x128xf32, #tpu.memory_space<hbm>>) target_semaphore(%run_scoped3A : memref<!tpu.dma_semaphore, #tpu.memory_space<semaphore_mem>>)
      %dma_wait3A_489 = arith.constant 14 : i32
      %dma_wait3A_490 = arith.constant 0 : i32
      %dma_wait3A_491 = arith.constant 0 : i32
      %dma_wait3A_492 = tpu.memref_slice %arg4[%add3A, %dma_wait3A_489, %dma_wait3A_490, %dma_wait3A_491] : memref<32x20x128x128xf32, #tpu.memory_space<hbm>> -> memref<1x2x128x128xf32, #tpu.memory_space<hbm>>
      %dma_wait3A_493 = tpu.memref_squeeze %dma_wait3A_492 : memref<1x2x128x128xf32, #tpu.memory_space<hbm>> -> memref<2x128x128xf32, #tpu.memory_space<hbm>>
      %dma_wait3A_494 = arith.constant 14 : i32
      %dma_wait3A_495 = arith.constant 0 : i32
      %dma_wait3A_496 = arith.constant 0 : i32
      %dma_wait3A_497 = tpu.memref_slice %arg4[%add3A, %dma_wait3A_494, %dma_wait3A_495, %dma_wait3A_496] : memref<32x20x128x128xf32, #tpu.memory_space<hbm>> -> memref<1x2x128x128xf32, #tpu.memory_space<hbm>>
      %dma_wait3A_498 = tpu.memref_squeeze %dma_wait3A_497 : memref<1x2x128x128xf32, #tpu.memory_space<hbm>> -> memref<2x128x128xf32, #tpu.memory_space<hbm>>
      tpu.wait_dma2 semaphore(%run_scoped3A : memref<!tpu.dma_semaphore, #tpu.memory_space<semaphore_mem>>) src(%arg7 : memref<2x128x128xf32, #tpu.memory_space<vmem>>) dst(%dma_wait3A_498 : memref<2x128x128xf32, #tpu.memory_space<hbm>>)
      tpu.yield
    }) : () -> ()
    %dma_start3A_407 = arith.constant 18 : i32
    %dma_start3A_408 = arith.constant 0 : i32
    %dma_start3A_409 = arith.constant 0 : i32
    %dma_start3A_410 = arith.constant 0 : i32
    %dma_start3A_411 = tpu.memref_slice %arg7[%dma_start3A_408, %dma_start3A_409, %dma_start3A_410] : memref<2x128x128xf32, #tpu.memory_space<vmem>> -> memref<1x128x128xf32, #tpu.memory_space<vmem>>
    %dma_start3A_412 = tpu.memref_squeeze %dma_start3A_411 : memref<1x128x128xf32, #tpu.memory_space<vmem>> -> memref<128x128xf32, #tpu.memory_space<vmem>>
    %dma_start3A_413 = arith.constant 0 : i32
    %dma_start3A_414 = tpu.memref_slice %arg5[%dma_start3A_407, %dma_start3A_413] : memref<20x128xi32, #tpu.memory_space<vmem>> -> memref<1x128xi32, #tpu.memory_space<vmem>>
    %dma_start3A_415 = tpu.memref_squeeze %dma_start3A_414 : memref<1x128xi32, #tpu.memory_space<vmem>> -> memref<128xi32, #tpu.memory_space<vmem>>
    %dma_start3A_416 = arith.constant 0 : i32
    %dma_start3A_417 = arith.constant 0 : i32
    %dma_start3A_418 = tpu.memref_slice %arg2[%dma_start3A_416, %dma_start3A_417] : memref<1000000x128xf32, #tpu.memory_space<hbm>> -> memref<1000000x128xf32, #tpu.memory_space<hbm>>
    tpu.enqueue_indirect_dma source(%dma_start3A_418 : memref<1000000x128xf32, #tpu.memory_space<hbm>>) target(%dma_start3A_412 : memref<128x128xf32, #tpu.memory_space<vmem>>) offsets(%dma_start3A_415 : memref<128xi32, #tpu.memory_space<vmem>>) semaphore(%arg9 : memref<!tpu.dma_semaphore, #tpu.memory_space<semaphore_mem>>)
    %dma_start3A_419 = arith.constant 19 : i32
    %dma_start3A_420 = arith.constant 1 : i32
    %dma_start3A_421 = arith.constant 0 : i32
    %dma_start3A_422 = arith.constant 0 : i32
    %dma_start3A_423 = tpu.memref_slice %arg7[%dma_start3A_420, %dma_start3A_421, %dma_start3A_422] : memref<2x128x128xf32, #tpu.memory_space<vmem>> -> memref<1x128x128xf32, #tpu.memory_space<vmem>>
    %dma_start3A_424 = tpu.memref_squeeze %dma_start3A_423 : memref<1x128x128xf32, #tpu.memory_space<vmem>> -> memref<128x128xf32, #tpu.memory_space<vmem>>
    %dma_start3A_425 = arith.constant 0 : i32
    %dma_start3A_426 = tpu.memref_slice %arg5[%dma_start3A_419, %dma_start3A_425] : memref<20x128xi32, #tpu.memory_space<vmem>> -> memref<1x128xi32, #tpu.memory_space<vmem>>
    %dma_start3A_427 = tpu.memref_squeeze %dma_start3A_426 : memref<1x128xi32, #tpu.memory_space<vmem>> -> memref<128xi32, #tpu.memory_space<vmem>>
    %dma_start3A_428 = arith.constant 0 : i32
    %dma_start3A_429 = arith.constant 0 : i32
    %dma_start3A_430 = tpu.memref_slice %arg2[%dma_start3A_428, %dma_start3A_429] : memref<1000000x128xf32, #tpu.memory_space<hbm>> -> memref<1000000x128xf32, #tpu.memory_space<hbm>>
    tpu.enqueue_indirect_dma source(%dma_start3A_430 : memref<1000000x128xf32, #tpu.memory_space<hbm>>) target(%dma_start3A_424 : memref<128x128xf32, #tpu.memory_space<vmem>>) offsets(%dma_start3A_427 : memref<128xi32, #tpu.memory_space<vmem>>) semaphore(%arg9 : memref<!tpu.dma_semaphore, #tpu.memory_space<semaphore_mem>>)
    %dma_wait3A_431 = arith.constant 16 : i32
    %dma_wait3A_432 = arith.constant 0 : i32
    %dma_wait3A_433 = arith.constant 0 : i32
    %dma_wait3A_434 = arith.constant 0 : i32
    %dma_wait3A_435 = tpu.memref_slice %arg6[%dma_wait3A_432, %dma_wait3A_433, %dma_wait3A_434] : memref<2x128x128xf32, #tpu.memory_space<vmem>> -> memref<1x128x128xf32, #tpu.memory_space<vmem>>
    %dma_wait3A_436 = tpu.memref_squeeze %dma_wait3A_435 : memref<1x128x128xf32, #tpu.memory_space<vmem>> -> memref<128x128xf32, #tpu.memory_space<vmem>>
    %dma_wait3A_437 = arith.constant 0 : i32
    %dma_wait3A_438 = tpu.memref_slice %arg5[%dma_wait3A_431, %dma_wait3A_437] : memref<20x128xi32, #tpu.memory_space<vmem>> -> memref<1x128xi32, #tpu.memory_space<vmem>>
    %dma_wait3A_439 = tpu.memref_squeeze %dma_wait3A_438 : memref<1x128xi32, #tpu.memory_space<vmem>> -> memref<128xi32, #tpu.memory_space<vmem>>
    %dma_wait3A_440 = arith.constant 0 : i32
    %dma_wait3A_441 = arith.constant 0 : i32
    %dma_wait3A_442 = tpu.memref_slice %arg2[%dma_wait3A_440, %dma_wait3A_441] : memref<1000000x128xf32, #tpu.memory_space<hbm>> -> memref<1000000x128xf32, #tpu.memory_space<hbm>>
    tpu.wait_indirect_dma semaphore(%arg8 : memref<!tpu.dma_semaphore, #tpu.memory_space<semaphore_mem>>) src(%dma_wait3A_442 : memref<1000000x128xf32, #tpu.memory_space<hbm>>) dst(%dma_wait3A_436 : memref<128x128xf32, #tpu.memory_space<vmem>>)
    %dma_wait3A_443 = arith.constant 17 : i32
    %dma_wait3A_444 = arith.constant 1 : i32
    %dma_wait3A_445 = arith.constant 0 : i32
    %dma_wait3A_446 = arith.constant 0 : i32
    %dma_wait3A_447 = tpu.memref_slice %arg6[%dma_wait3A_444, %dma_wait3A_445, %dma_wait3A_446] : memref<2x128x128xf32, #tpu.memory_space<vmem>> -> memref<1x128x128xf32, #tpu.memory_space<vmem>>
    %dma_wait3A_448 = tpu.memref_squeeze %dma_wait3A_447 : memref<1x128x128xf32, #tpu.memory_space<vmem>> -> memref<128x128xf32, #tpu.memory_space<vmem>>
    %dma_wait3A_449 = arith.constant 0 : i32
    %dma_wait3A_450 = tpu.memref_slice %arg5[%dma_wait3A_443, %dma_wait3A_449] : memref<20x128xi32, #tpu.memory_space<vmem>> -> memref<1x128xi32, #tpu.memory_space<vmem>>
    %dma_wait3A_451 = tpu.memref_squeeze %dma_wait3A_450 : memref<1x128xi32, #tpu.memory_space<vmem>> -> memref<128xi32, #tpu.memory_space<vmem>>
    %dma_wait3A_452 = arith.constant 0 : i32
    %dma_wait3A_453 = arith.constant 0 : i32
    %dma_wait3A_454 = tpu.memref_slice %arg2[%dma_wait3A_452, %dma_wait3A_453] : memref<1000000x128xf32, #tpu.memory_space<hbm>> -> memref<1000000x128xf32, #tpu.memory_space<hbm>>
    tpu.wait_indirect_dma semaphore(%arg8 : memref<!tpu.dma_semaphore, #tpu.memory_space<semaphore_mem>>) src(%dma_wait3A_454 : memref<1000000x128xf32, #tpu.memory_space<hbm>>) dst(%dma_wait3A_448 : memref<128x128xf32, #tpu.memory_space<vmem>>)
    "tpu.region"() ({
      %run_scoped3A = tpu.sem_alloc : memref<!tpu.dma_semaphore, #tpu.memory_space<semaphore_mem>>
      %dma_start3A_479 = arith.constant 16 : i32
      %dma_start3A_480 = arith.constant 0 : i32
      %dma_start3A_481 = arith.constant 0 : i32
      %dma_start3A_482 = tpu.memref_slice %arg4[%add3A, %dma_start3A_479, %dma_start3A_480, %dma_start3A_481] : memref<32x20x128x128xf32, #tpu.memory_space<hbm>> -> memref<1x2x128x128xf32, #tpu.memory_space<hbm>>
      %dma_start3A_483 = tpu.memref_squeeze %dma_start3A_482 : memref<1x2x128x128xf32, #tpu.memory_space<hbm>> -> memref<2x128x128xf32, #tpu.memory_space<hbm>>
      %dma_start3A_484 = arith.constant 16 : i32
      %dma_start3A_485 = arith.constant 0 : i32
      %dma_start3A_486 = arith.constant 0 : i32
      %dma_start3A_487 = tpu.memref_slice %arg4[%add3A, %dma_start3A_484, %dma_start3A_485, %dma_start3A_486] : memref<32x20x128x128xf32, #tpu.memory_space<hbm>> -> memref<1x2x128x128xf32, #tpu.memory_space<hbm>>
      %dma_start3A_488 = tpu.memref_squeeze %dma_start3A_487 : memref<1x2x128x128xf32, #tpu.memory_space<hbm>> -> memref<2x128x128xf32, #tpu.memory_space<hbm>>
      tpu.enqueue_dma source(%arg6 : memref<2x128x128xf32, #tpu.memory_space<vmem>>) target(%dma_start3A_488 : memref<2x128x128xf32, #tpu.memory_space<hbm>>) target_semaphore(%run_scoped3A : memref<!tpu.dma_semaphore, #tpu.memory_space<semaphore_mem>>)
      %dma_wait3A_489 = arith.constant 16 : i32
      %dma_wait3A_490 = arith.constant 0 : i32
      %dma_wait3A_491 = arith.constant 0 : i32
      %dma_wait3A_492 = tpu.memref_slice %arg4[%add3A, %dma_wait3A_489, %dma_wait3A_490, %dma_wait3A_491] : memref<32x20x128x128xf32, #tpu.memory_space<hbm>> -> memref<1x2x128x128xf32, #tpu.memory_space<hbm>>
      %dma_wait3A_493 = tpu.memref_squeeze %dma_wait3A_492 : memref<1x2x128x128xf32, #tpu.memory_space<hbm>> -> memref<2x128x128xf32, #tpu.memory_space<hbm>>
      %dma_wait3A_494 = arith.constant 16 : i32
      %dma_wait3A_495 = arith.constant 0 : i32
      %dma_wait3A_496 = arith.constant 0 : i32
      %dma_wait3A_497 = tpu.memref_slice %arg4[%add3A, %dma_wait3A_494, %dma_wait3A_495, %dma_wait3A_496] : memref<32x20x128x128xf32, #tpu.memory_space<hbm>> -> memref<1x2x128x128xf32, #tpu.memory_space<hbm>>
      %dma_wait3A_498 = tpu.memref_squeeze %dma_wait3A_497 : memref<1x2x128x128xf32, #tpu.memory_space<hbm>> -> memref<2x128x128xf32, #tpu.memory_space<hbm>>
      tpu.wait_dma2 semaphore(%run_scoped3A : memref<!tpu.dma_semaphore, #tpu.memory_space<semaphore_mem>>) src(%arg6 : memref<2x128x128xf32, #tpu.memory_space<vmem>>) dst(%dma_wait3A_498 : memref<2x128x128xf32, #tpu.memory_space<hbm>>)
      tpu.yield
    }) : () -> ()
    %dma_wait3A_455 = arith.constant 18 : i32
    %dma_wait3A_456 = arith.constant 0 : i32
    %dma_wait3A_457 = arith.constant 0 : i32
    %dma_wait3A_458 = arith.constant 0 : i32
    %dma_wait3A_459 = tpu.memref_slice %arg7[%dma_wait3A_456, %dma_wait3A_457, %dma_wait3A_458] : memref<2x128x128xf32, #tpu.memory_space<vmem>> -> memref<1x128x128xf32, #tpu.memory_space<vmem>>
    %dma_wait3A_460 = tpu.memref_squeeze %dma_wait3A_459 : memref<1x128x128xf32, #tpu.memory_space<vmem>> -> memref<128x128xf32, #tpu.memory_space<vmem>>
    %dma_wait3A_461 = arith.constant 0 : i32
    %dma_wait3A_462 = tpu.memref_slice %arg5[%dma_wait3A_455, %dma_wait3A_461] : memref<20x128xi32, #tpu.memory_space<vmem>> -> memref<1x128xi32, #tpu.memory_space<vmem>>
    %dma_wait3A_463 = tpu.memref_squeeze %dma_wait3A_462 : memref<1x128xi32, #tpu.memory_space<vmem>> -> memref<128xi32, #tpu.memory_space<vmem>>
    %dma_wait3A_464 = arith.constant 0 : i32
    %dma_wait3A_465 = arith.constant 0 : i32
    %dma_wait3A_466 = tpu.memref_slice %arg2[%dma_wait3A_464, %dma_wait3A_465] : memref<1000000x128xf32, #tpu.memory_space<hbm>> -> memref<1000000x128xf32, #tpu.memory_space<hbm>>
    tpu.wait_indirect_dma semaphore(%arg9 : memref<!tpu.dma_semaphore, #tpu.memory_space<semaphore_mem>>) src(%dma_wait3A_466 : memref<1000000x128xf32, #tpu.memory_space<hbm>>) dst(%dma_wait3A_460 : memref<128x128xf32, #tpu.memory_space<vmem>>)
    %dma_wait3A_467 = arith.constant 19 : i32
    %dma_wait3A_468 = arith.constant 1 : i32
    %dma_wait3A_469 = arith.constant 0 : i32
    %dma_wait3A_470 = arith.constant 0 : i32
    %dma_wait3A_471 = tpu.memref_slice %arg7[%dma_wait3A_468, %dma_wait3A_469, %dma_wait3A_470] : memref<2x128x128xf32, #tpu.memory_space<vmem>> -> memref<1x128x128xf32, #tpu.memory_space<vmem>>
    %dma_wait3A_472 = tpu.memref_squeeze %dma_wait3A_471 : memref<1x128x128xf32, #tpu.memory_space<vmem>> -> memref<128x128xf32, #tpu.memory_space<vmem>>
    %dma_wait3A_473 = arith.constant 0 : i32
    %dma_wait3A_474 = tpu.memref_slice %arg5[%dma_wait3A_467, %dma_wait3A_473] : memref<20x128xi32, #tpu.memory_space<vmem>> -> memref<1x128xi32, #tpu.memory_space<vmem>>
    %dma_wait3A_475 = tpu.memref_squeeze %dma_wait3A_474 : memref<1x128xi32, #tpu.memory_space<vmem>> -> memref<128xi32, #tpu.memory_space<vmem>>
    %dma_wait3A_476 = arith.constant 0 : i32
    %dma_wait3A_477 = arith.constant 0 : i32
    %dma_wait3A_478 = tpu.memref_slice %arg2[%dma_wait3A_476, %dma_wait3A_477] : memref<1000000x128xf32, #tpu.memory_space<hbm>> -> memref<1000000x128xf32, #tpu.memory_space<hbm>>
    tpu.wait_indirect_dma semaphore(%arg9 : memref<!tpu.dma_semaphore, #tpu.memory_space<semaphore_mem>>) src(%dma_wait3A_478 : memref<1000000x128xf32, #tpu.memory_space<hbm>>) dst(%dma_wait3A_472 : memref<128x128xf32, #tpu.memory_space<vmem>>)
    "tpu.region"() ({
      %run_scoped3A = tpu.sem_alloc : memref<!tpu.dma_semaphore, #tpu.memory_space<semaphore_mem>>
      %dma_start3A_479 = arith.constant 18 : i32
      %dma_start3A_480 = arith.constant 0 : i32
      %dma_start3A_481 = arith.constant 0 : i32
      %dma_start3A_482 = tpu.memref_slice %arg4[%add3A, %dma_start3A_479, %dma_start3A_480, %dma_start3A_481] : memref<32x20x128x128xf32, #tpu.memory_space<hbm>> -> memref<1x2x128x128xf32, #tpu.memory_space<hbm>>
      %dma_start3A_483 = tpu.memref_squeeze %dma_start3A_482 : memref<1x2x128x128xf32, #tpu.memory_space<hbm>> -> memref<2x128x128xf32, #tpu.memory_space<hbm>>
      %dma_start3A_484 = arith.constant 18 : i32
      %dma_start3A_485 = arith.constant 0 : i32
      %dma_start3A_486 = arith.constant 0 : i32
      %dma_start3A_487 = tpu.memref_slice %arg4[%add3A, %dma_start3A_484, %dma_start3A_485, %dma_start3A_486] : memref<32x20x128x128xf32, #tpu.memory_space<hbm>> -> memref<1x2x128x128xf32, #tpu.memory_space<hbm>>
      %dma_start3A_488 = tpu.memref_squeeze %dma_start3A_487 : memref<1x2x128x128xf32, #tpu.memory_space<hbm>> -> memref<2x128x128xf32, #tpu.memory_space<hbm>>
      tpu.enqueue_dma source(%arg7 : memref<2x128x128xf32, #tpu.memory_space<vmem>>) target(%dma_start3A_488 : memref<2x128x128xf32, #tpu.memory_space<hbm>>) target_semaphore(%run_scoped3A : memref<!tpu.dma_semaphore, #tpu.memory_space<semaphore_mem>>)
      %dma_wait3A_489 = arith.constant 18 : i32
      %dma_wait3A_490 = arith.constant 0 : i32
      %dma_wait3A_491 = arith.constant 0 : i32
      %dma_wait3A_492 = tpu.memref_slice %arg4[%add3A, %dma_wait3A_489, %dma_wait3A_490, %dma_wait3A_491] : memref<32x20x128x128xf32, #tpu.memory_space<hbm>> -> memref<1x2x128x128xf32, #tpu.memory_space<hbm>>
      %dma_wait3A_493 = tpu.memref_squeeze %dma_wait3A_492 : memref<1x2x128x128xf32, #tpu.memory_space<hbm>> -> memref<2x128x128xf32, #tpu.memory_space<hbm>>
      %dma_wait3A_494 = arith.constant 18 : i32
      %dma_wait3A_495 = arith.constant 0 : i32
      %dma_wait3A_496 = arith.constant 0 : i32
      %dma_wait3A_497 = tpu.memref_slice %arg4[%add3A, %dma_wait3A_494, %dma_wait3A_495, %dma_wait3A_496] : memref<32x20x128x128xf32, #tpu.memory_space<hbm>> -> memref<1x2x128x128xf32, #tpu.memory_space<hbm>>
      %dma_wait3A_498 = tpu.memref_squeeze %dma_wait3A_497 : memref<1x2x128x128xf32, #tpu.memory_space<hbm>> -> memref<2x128x128xf32, #tpu.memory_space<hbm>>
      tpu.wait_dma2 semaphore(%run_scoped3A : memref<!tpu.dma_semaphore, #tpu.memory_space<semaphore_mem>>) src(%arg7 : memref<2x128x128xf32, #tpu.memory_space<vmem>>) dst(%dma_wait3A_498 : memref<2x128x128xf32, #tpu.memory_space<hbm>>)
      tpu.yield
    }) : () -> ()
    return
  }
}

module attributes {stable_mosaic.version = 14 : i64} {
  func.func @_pad_body(%arg0: i32, %arg1: memref<50x16384xf32, #tpu.memory_space<vmem>>, %arg2: memref<16384x128xf32, #tpu.memory_space<vmem>>) attributes {dimension_semantics = [#tpu.dimension_semantics<arbitrary>], iteration_bounds = array<i64: 62>, scalar_prefetch = 0 : i64, scratch_operands = 0 : i64, tpu.core_type = #tpu.core_type<tc>, window_params = [{transform_indices = @transform_0, window_bounds = array<i64: 50, 16384>}, {transform_indices = @transform_1, window_bounds = array<i64: 16384, 128>}]} {
    %get3A = arith.constant 0 : index
    %get3A_0 = arith.constant 0 : index
    %get3A_1 = vector.load %arg1[%get3A, %get3A_0] : memref<50x16384xf32, #tpu.memory_space<vmem>>, vector<50x16384xf32>
    %transpose3A = tpu.transpose %get3A_1, [1, 0] : vector<50x16384xf32> -> vector<16384x50xf32>
    %broadcast_in_dim3A = arith.constant 0.000000e+00 : f32
    %broadcast_in_dim3A_2 = vector.broadcast %broadcast_in_dim3A : f32 to vector<16384x78xf32>
    %concatenate3A = tpu.concatenate %transpose3A, %broadcast_in_dim3A_2 in 1 : vector<16384x50xf32>, vector<16384x78xf32> -> vector<16384x128xf32>
    %swap3A = arith.constant 0 : index
    %swap3A_3 = arith.constant 0 : index
    %swap3A_4 = vector.load %arg2[%swap3A, %swap3A_3] : memref<16384x128xf32, #tpu.memory_space<vmem>>, vector<16384x128xf32>
    tpu.vector_store %arg2[%swap3A, %swap3A_3], %concatenate3A {strides = array<i32>} : memref<16384x128xf32, #tpu.memory_space<vmem>>, vector<16384x128xf32>,
    return
  }
  func.func @transform_0(%arg0: i32) -> (i32, i32) {
    %c0_i32 = arith.constant 0 : i32
    %c0_i32_0 = arith.constant 0 : i32
    return %c0_i32, %arg0 : i32, i32
  }
  func.func @transform_1(%arg0: i32) -> (i32, i32) {
    %c0_i32 = arith.constant 0 : i32
    %c0_i32_0 = arith.constant 0 : i32
    return %arg0, %c0_i32 : i32, i32
  }
}

module attributes {stable_mosaic.version = 14 : i64} {
  func.func @_mlp_body(%arg0: i32, %arg1: memref<2048x640xf32, #tpu.memory_space<vmem>>, %arg2: memref<100x640xf32, #tpu.memory_space<vmem>>, %arg3: memref<1x100xf32, #tpu.memory_space<vmem>>, %arg4: memref<36x100xf32, #tpu.memory_space<vmem>>, %arg5: memref<1x36xf32, #tpu.memory_space<vmem>>, %arg6: memref<2048x36xf32, #tpu.memory_space<vmem>>) attributes {dimension_semantics = [#tpu.dimension_semantics<arbitrary>], iteration_bounds = array<i64: 8>, scalar_prefetch = 0 : i64, scratch_operands = 0 : i64, tpu.core_type = #tpu.core_type<tc>, window_params = [{transform_indices = @transform_0, window_bounds = array<i64: 2048, 640>}, {pipeline_mode = #tpu.pipeline_mode<synchronous>, transform_indices = @transform_1, window_bounds = array<i64: 100, 640>}, {pipeline_mode = #tpu.pipeline_mode<synchronous>, transform_indices = @transform_2, window_bounds = array<i64: 1, 100>}, {pipeline_mode = #tpu.pipeline_mode<synchronous>, transform_indices = @transform_3, window_bounds = array<i64: 36, 100>}, {pipeline_mode = #tpu.pipeline_mode<synchronous>, transform_indices = @transform_4, window_bounds = array<i64: 1, 36>}, {transform_indices = @transform_5, window_bounds = array<i64: 2048, 36>}]} {
    %get3A = arith.constant 0 : index
    %get3A_0 = arith.constant 0 : index
    %get3A_1 = vector.load %arg1[%get3A, %get3A_0] : memref<2048x640xf32, #tpu.memory_space<vmem>>, vector<2048x640xf32>
    %get3A_2 = arith.constant 0 : index
    %get3A_3 = arith.constant 0 : index
    %get3A_4 = vector.load %arg2[%get3A_2, %get3A_3] : memref<100x640xf32, #tpu.memory_space<vmem>>, vector<100x640xf32>
    %dot_general3A = arith.constant dense<0.000000e+00> : vector<2048x100xf32>
    %dot_general3A_5 = tpu.matmul %get3A_1, %get3A_4, %dot_general3A {dimension_numbers = #tpu.dot_dimension_numbers<[1], [1], [0], [0], [0, 0, 1, 0], [], []>, transpose_lhs_hint = false} : vector<2048x640xf32>, vector<100x640xf32>, vector<2048x100xf32> -> vector<2048x100xf32>
    %get3A_6 = arith.constant 0 : index
    %get3A_7 = arith.constant 0 : index
    %get3A_8 = vector.load %arg3[%get3A_6, %get3A_7] : memref<1x100xf32, #tpu.memory_space<vmem>>, vector<1x100xf32>
    %add3A = vector.broadcast %get3A_8 : vector<1x100xf32> to vector<2048x100xf32>
    %add3A_9 = arith.addf %dot_general3A_5, %add3A : vector<2048x100xf32>
    %tanh3A = math.tanh %add3A_9 : vector<2048x100xf32>
    %get3A_10 = arith.constant 0 : index
    %get3A_11 = arith.constant 0 : index
    %get3A_12 = vector.load %arg4[%get3A_10, %get3A_11] : memref<36x100xf32, #tpu.memory_space<vmem>>, vector<36x100xf32>
    %dot_general3A_13 = arith.constant dense<0.000000e+00> : vector<2048x36xf32>
    %dot_general3A_14 = tpu.matmul %tanh3A, %get3A_12, %dot_general3A_13 {dimension_numbers = #tpu.dot_dimension_numbers<[1], [1], [0], [0], [0, 0, 1, 0], [], []>, transpose_lhs_hint = false} : vector<2048x100xf32>, vector<36x100xf32>, vector<2048x36xf32> -> vector<2048x36xf32>
    %get3A_15 = arith.constant 0 : index
    %get3A_16 = arith.constant 0 : index
    %get3A_17 = vector.load %arg5[%get3A_15, %get3A_16] : memref<1x36xf32, #tpu.memory_space<vmem>>, vector<1x36xf32>
    %add3A_18 = vector.broadcast %get3A_17 : vector<1x36xf32> to vector<2048x36xf32>
    %add3A_19 = arith.addf %dot_general3A_14, %add3A_18 : vector<2048x36xf32>
    %swap3A = arith.constant 0 : index
    %swap3A_20 = arith.constant 0 : index
    %swap3A_21 = vector.load %arg6[%swap3A, %swap3A_20] : memref<2048x36xf32, #tpu.memory_space<vmem>>, vector<2048x36xf32>
    tpu.vector_store %arg6[%swap3A, %swap3A_20], %add3A_19 {strides = array<i32>} : memref<2048x36xf32, #tpu.memory_space<vmem>>, vector<2048x36xf32>,
    return
  }
  func.func @transform_0(%arg0: i32) -> (i32, i32) {
    %c0_i32 = arith.constant 0 : i32
    %c0_i32_0 = arith.constant 0 : i32
    return %arg0, %c0_i32 : i32, i32
  }
  func.func @transform_1(%arg0: i32) -> (i32, i32) {
    %c0_i32 = arith.constant 0 : i32
    %c0_i32_0 = arith.constant 0 : i32
    %c0_i32_1 = arith.constant 0 : i32
    return %c0_i32, %c0_i32_0 : i32, i32
  }
  func.func @transform_2(%arg0: i32) -> (i32, i32) {
    %c0_i32 = arith.constant 0 : i32
    %c0_i32_0 = arith.constant 0 : i32
    %c0_i32_1 = arith.constant 0 : i32
    return %c0_i32, %c0_i32_0 : i32, i32
  }
  func.func @transform_3(%arg0: i32) -> (i32, i32) {
    %c0_i32 = arith.constant 0 : i32
    %c0_i32_0 = arith.constant 0 : i32
    %c0_i32_1 = arith.constant 0 : i32
    return %c0_i32, %c0_i32_0 : i32, i32
  }
  func.func @transform_4(%arg0: i32) -> (i32, i32) {
    %c0_i32 = arith.constant 0 : i32
    %c0_i32_0 = arith.constant 0 : i32
    %c0_i32_1 = arith.constant 0 : i32
    return %c0_i32, %c0_i32_0 : i32, i32
  }
  func.func @transform_5(%arg0: i32) -> (i32, i32) {
    %c0_i32 = arith.constant 0 : i32
    %c0_i32_0 = arith.constant 0 : i32
    return %arg0, %c0_i32 : i32, i32
  }
}

</mosaic_0001>

<sc_bundles>
// kernel: kernel.5.cloned.1.call-start
scs
__scs_entry_jumppad:
0x0: {  	(pc) =	sbr.rel $0x88, $3  }
0x1: {  	(tag) =	ssettag $0x0;
	lr =	simm.s32 $0x1  }
0x2: {  	[smem:$0x3F9B] =	sst lr;
	_ =	strace $0xD0000000  }
0x3: {  	_ = 	snop  }
0x4: {  	_ = 	snop  }
0x5: {  	_ = 	snop  }
0x6: {  	_ = 	snop  }
0x7: {  	_ = 	snop  }
__scs_overlays_trampoline_lowered:
0x8: {  	[smem:$0x3FAA] =	sst s0  }
0x9: {  	[smem:$0x3FAB] =	sst s1  }
0xa: {  	[smem:$0x3FAC] =	sst s2  }
0xb: {  	[smem:$0x3FAD] =	sst s3  }
0xc: {  	[smem:$0x3FAE] =	sst s4  }
0xd: {  	[smem:$0x3FAF] =	sst s5  }
0xe: {  	[smem:$0x3FB0] =	sst s6  }
0xf: {  	[smem:$0x3FB1] =	sst s7  }
0x10: {  	[smem:$0x3FB2] =	sst s8  }
0x11: {  	[smem:$0x3FB3] =	sst s9;
	s0 =	simm.s32 @!p0 $0x0  }
0x12: {  	s1 =	sld [smem:$0x3F99];
	s0 =	simm.s32 @p0 $0x1  }
0x13: {  	[smem:$0x3FB4] =	sst s0;
	s0 =	simm.s32 @!p1 $0x0  }
0x14: {  	s2 =	sld [smem:$0x3F98];
	s0 =	simm.s32 @p1 $0x1  }
0x15: {  	[smem:$0x3FB5] =	sst s0;
	s0 =	simm.s32 @!p2 $0x0  }
0x16: {  	s3 =	sld [smem:$0x3FDB];
	s0 =	simm.s32 @p2 $0x1  }
0x17: {  	s4 =	simm.s32 $0x1BF5;
	[smem:$0x3FB7] =	sst s0  }
0x18: {  	s0 =	sld [smem:$0x3F9A];
	_ =	swait.ge [sflag:s4], $0x0  }
0x19: {  	s7 =	sld [smem:$0x3F9B]  }
0x1a: {  	s8 =	sadd.s32 $0xFFFFE003, lr  }
0x1b: {  	s9 =	sadd.s32 $0xFFFFFEF7, lr;
	s5 =	simm.s32 $0xFFFFFFFF;
	p2 =	slt.u32 s8, $0xFFFFF086  }
0x1c: {  	p1 =	slt.u32 s9, $0xF7A;
	s5 =	simm.s32 @!p2 $0x0  }
0x1d: {  	s5 =	simm.s32 @p1 $0x1;
	p0 =	seq.s32 s7, s2  }
0x1e: {  	s7 =	smul.u32 @!p0 $0xF7A, s2;
	p2 =	seq.s32 @!p0 s5, $0x0  }
0x1f: {  	s9 =	smul.u32 $0xF7A, s1;
	s8 =	simm.s32 @!p0 $0x1BF5;
	p2 =	por !p2, p0  }
0x20: {  	[sflag:s8] =	ssyncset.s32 @!p0 $0xFFFFF086;
	s6 =	sadd.s32 @!p0 s3, s7;
	s7 =	simm.s32 @!p0 $0x108  }
0x21: {  	s3 =	sadd.s32 s3, s9;
	s6 =	sadd.s32 @!p0 $0x88, s6;
	s7 =	simm.s32 @p2 $0x1082  }
0x22: {  	[simem:s7], [sflag:s8] =	dma.local @!p0 [hbm:s6], $0xF7A  }
0x23: {  	s9 =	sor.u32 $0xD0000000, s2;
	s6 =	simm.s32 $0x108;
	_ =	swait.ge @!p0 [sflag:s8], $0x0  }
0x24: {  	s3 =	sadd.s32 $0x88, s3;
	s6 =	simm.s32 @!p1 $0x1082;
	[sflag:s4] =	ssyncset.s32 $0xFFFFF086  }
0x25: {  	[simem:s6], [sflag:s4] =	dma.local [hbm:s3], $0xF7A  }
0x26: {  	[smem:$0x3F9B] =	sst s1;
	(tag) =	ssettag s2;
	_ =	strace s9  }
0x27: {  	s1 =	sld [smem:$0x3FAB]  }
0x28: {  	s2 =	sld [smem:$0x3FAC]  }
0x29: {  	s4 =	sld [smem:$0x3FAE]  }
0x2a: {  	p0 =	seq.s32 s5, $0x0;
	s5 =	sld [smem:$0x3FAF]  }
0x2b: {  	s6 =	sld [smem:$0x3FB0]  }
0x2c: {  	s7 =	sld [smem:$0x3FB1]  }
0x2d: {  	s3 =	simm.s32 $0x108;
	s8 =	sld [smem:$0x3FB2]  }
0x2e: {  	s3 =	simm.s32 @!p0 $0x1082;
	s9 =	sld [smem:$0x3FB3]  }
0x2f: {  	lr =	sadd.s32 s0, s3;
	s0 =	sld [smem:$0x3FAA]  }
0x30: {  	s3 =	sld [smem:$0x3FAD]  }
0x31: {  	[smem:$0x3FB6] =	sst s10  }
0x32: {  	s10 =	sld [smem:$0x3FB4];
	_ =	sdelay $0x3  }
0x33: {  	p0 =	seq.s32 s10, $0x1;
	s10 =	sld [smem:$0x3FB6];
	_ =	sdelay $0x3  }
0x34: {  	[smem:$0x3FB6] =	sst s10  }
0x35: {  	s10 =	sld [smem:$0x3FB5];
	_ =	sdelay $0x3  }
0x36: {  	p1 =	seq.s32 s10, $0x1;
	s10 =	sld [smem:$0x3FB6];
	_ =	sdelay $0x3  }
0x37: {  	[smem:$0x3FB6] =	sst s10  }
0x38: {  	s10 =	sld [smem:$0x3FB7]  }
0x39: {  	_ = 	snop;
	(pc) =	sbr.ind lr, $3  }
0x3a: {  	_ = 	snop  }
0x3b: {  	_ = 	snop  }
0x3c: {  	p2 =	seq.s32 s10, $0x1;
	s10 =	sld [smem:$0x3FB6]  }
0x3d: {  	_ =	shalt  }
0x3e: {  	_ =	shalt  }
0x3f: {  	_ =	shalt  }
0x40: {  	_ =	shalt  }
0x41: {  	_ =	shalt  }
0x42: {  	_ =	shalt  }
0x43: {  	_ =	shalt  }
0x44: {  	_ =	shalt  }
0x45: {  	_ =	shalt  }
0x46: {  	_ =	shalt  }
0x47: {  	_ =	shalt  }
0x48: {  	_ =	shalt  }
0x49: {  	_ =	shalt  }
0x4a: {  	_ =	shalt  }
0x4b: {  	_ =	shalt  }
0x4c: {  	_ =	shalt  }
0x4d: {  	_ =	shalt  }
0x4e: {  	_ =	shalt  }
0x4f: {  	_ =	shalt  }
0x50: {  	_ =	shalt  }
0x51: {  	_ =	shalt  }
0x52: {  	_ =	shalt  }
0x53: {  	_ =	shalt  }
0x54: {  	_ =	shalt  }
0x55: {  	_ =	shalt  }
0x56: {  	_ =	shalt  }
0x57: {  	_ =	shalt  }
0x58: {  	_ =	shalt  }
0x59: {  	_ =	shalt  }
0x5a: {  	_ =	shalt  }
0x5b: {  	_ =	shalt  }
0x5c: {  	_ =	shalt  }
0x5d: {  	_ =	shalt  }
0x5e: {  	_ =	shalt  }
0x5f: {  	_ =	shalt  }
0x60: {  	_ =	shalt  }
0x61: {  	_ =	shalt  }
0x62: {  	_ =	shalt  }
0x63: {  	_ =	shalt  }
0x64: {  	_ =	shalt  }
0x65: {  	_ =	shalt  }
0x66: {  	_ =	shalt  }
0x67: {  	_ =	shalt  }
0x68: {  	_ =	shalt  }
0x69: {  	_ =	shalt  }
0x6a: {  	_ =	shalt  }
0x6b: {  	_ =	shalt  }
0x6c: {  	_ =	shalt  }
0x6d: {  	_ =	shalt  }
0x6e: {  	_ =	shalt  }
0x6f: {  	_ =	shalt  }
0x70: {  	_ =	shalt  }
0x71: {  	_ =	shalt  }
0x72: {  	_ =	shalt  }
0x73: {  	_ =	shalt  }
0x74: {  	_ =	shalt  }
0x75: {  	_ =	shalt  }
0x76: {  	_ =	shalt  }
0x77: {  	_ =	shalt  }
0x78: {  	_ =	shalt  }
0x79: {  	_ =	shalt  }
0x7a: {  	_ =	shalt  }
0x7b: {  	_ =	shalt  }
0x7c: {  	_ =	shalt  }
0x7d: {  	_ =	shalt  }
0x7e: {  	_ =	shalt  }
0x7f: {  	_ =	shalt  }
0x80: {  	_ =	shalt  }
0x81: {  	_ =	shalt  }
0x82: {  	_ =	shalt  }
0x83: {  	_ =	shalt  }
0x84: {  	_ =	shalt  }
0x85: {  	_ =	shalt  }
0x86: {  	_ =	shalt  }
0x87: {  	_ =	shalt  }
.Lfunc_end0:
.L_simem_size_0:
called_computation_lowered:
.L_overlay_start_0:
0x88: {  	s2 =	sld [smem:$0x3FD9]  }
0x89: {  	s3 =	sld [smem:$0x3FFE];
	_ =	sdelay $0x1  }
0x8a: {  	s1 =	srdreg.scid  }
0x8b: {  	s0 =	sand.u32 $0x1, s1  }
0x8c: {  	s17 =	sshll.u32 s0, $0xA;
	s2 =	sadd.s32 s3, s2  }
0x8d: {  	s2 =	sadd.s32 s2, s17  }
0x8e: {  	[smem:$0x3FC2] =	sst s2  }
0x8f: {  	_ = 	snop  }
0x90: {  	s2 =	sld [smem:$0x3FD0];
	(tm) =	ssettm $0x1  }
0x91: {  	s18 =	sld [smem:$0x3FFB];
	_ =	sdelay $0x3  }
0x92: {  	_ =	strace s18  }
0x93: {  	s3 =	sld [smem:$0x3FFC];
	_ =	sdelay $0x3  }
0x94: {  	_ =	strace s3  }
0x95: {  	s3 =	sld [smem:$0x3FFD];
	_ =	sdelay $0x3  }
0x96: {  	_ =	strace s3  }
0x97: {  	_ =	strace $0x8FFFFFFF  }
0x98: {  	s19 =	sld [smem:$0x3FDB];
	_ =	sdelay $0x1  }
0x99: {  	s4 =	simm.s32 $_scs_section_size  }
0x9a: {  	s5 =	simm.s32 $_size__tile_overlayer_lowered;
	s6 =	simm.s32 $_tile_overlayer_lowered  }
0x9b: {  	s22 =	simm.s32 $0x1BFF;
	s21 =	sshll.u32 s6, $0x1;
	s3 =	sadd.s32 s4, s19  }
0x9c: {  	s7 =	simm.s32 $0x0;
	s20 =	sshll.u32 s5, $0x1;
	s5 =	sadd.s32 s21, s3  }
0x9d: {  	[timem:s7], [sflag:s22] =	dma.local [hbm:s5], s20  }
0x9e: {  	_ =	swait.ge [sflag:s22], s20  }
0x9f: {  	s4 =	ssub.s32 $0x0, s20;
	[sflag:s22] =	ssyncset.done $0x0  }
0xa0: {  	[sflag:s22] =	ssyncadd.s32 s4;
	_ =	sdelay $0x1  }
0xa1: {  	s23 =	simm.s32 $0x1B8B  }
0xa2: {  	_ =	swait.ge [sflag:s23], $0x1  }
0xa3: {  	[sflag:s23] =	ssyncset.done $0x0  }
0xa4: {  	s25 =	simm.s32 $0x1B8E;
	s24 =	sld [smem:$0x3FFE];
	[sflag:s23] =	ssyncadd.s32 $0xFFFFFFFF  }
0xa5: {  	s26 =	simm.s32 $execute0_lowered;
	[smem:$0x3FD2] =	sst s25  }
0xa6: {  	s5 =	sshll.u32 s26, $0x1;
	_ =	strace $0x80000046;
	[dreg:$0x1] =	wrdreg $0xFFFFFFFF  }
0xa7: {  	s28 =	simm.s32 $_size_execute0_lowered;
	s3 =	sadd.s32 s3, s5;
	[dreg:$0x0] =	wrdreg $0x0  }
0xa8: {  	s5 =	sshll.u32 s28, $0x1;
	[dreg:$0x2] =	wrdreg s3  }
0xa9: {  	[dreg:$0x3] =	wrdreg s5  }
0xaa: {  	[dreg:$0x4] =	wrdreg $0xC0  }
0xab: {  	_ =	task [dreg:s7], $0x5FFFF  }
0xac: {  	[dreg:$0x1] =	wrdreg $0xFFFFFFFF  }
0xad: {  	[dreg:$0x0] =	wrdreg $0x60  }
0xae: {  	[dreg:$0x2] =	wrdreg s24  }
0xaf: {  	[dreg:$0x3] =	wrdreg s2  }
0xb0: {  	[dreg:$0x4] =	wrdreg $0x9  }
0xb1: {  	_ =	task.clear_ibuf [dreg:s7], $0x5FFFF;
	_ =	strace $0x90000046  }
0xb2: {  	s29 =	simm.s32 $0x9;
	_ =	strace $0x80000048  }
0xb3: {  	_ =	swait.ge [sflag:s29], $0x1  }
0xb4: {  	[sflag:s29] =	ssyncadd.s32 $0xFFFFFFFF  }
0xb5: {  	_ =	strace $0x90000048  }
0xb6: {  	_ =	sfence  }
0xb7: {  	s30 =	sld [smem:$0x0];
	_ =	sdelay $0x2  }
0xb8: {  	s31 =	sshll.u32 s1, $0xD;
	s1 =	sshrl.u32 s1, $0x2  }
0xb9: {  	s3 =	sand.u32 $0x4000, s31;
	s1 =	sadd.s32 s1, s30  }
0xba: {  	s0 =	sor.u32 s3, s0;
	s1 =	sshll.u32 s1, $0x11  }
0xbb: {  	s0 =	sor.u32 s1, s0  }
0xbc: {  	s0 =	sadd.s32 $0x8F2B, s0  }
0xbd: {  	[sflag:s0] =	ssyncadd.remote.s32 $0x1  }
0xbe: {  	_ =	sfence.sel $0xFFFF  }
0xbf: {  	[dreg:$0x0] =	wrdreg $0xFFFFFFFF;
	(pc) =	sbr.abs _section_cstart, $3  }
0xc0: {  	[dreg:$0x1] =	wrdreg $0xFFFFFFFF  }
0xc1: {  	_ =	task.clear_ibuf [dreg:s7], $0x2FFFF;
	_ =	strace $0x9FFFFFFF  }
0xc2: {  	(tm) =	ssettm $0x7FFFFFFF  }
0xc3: {  	_ =	shalt  }
tec
execute0_lowered:
.L_overlay_start_1:
0x0: {  	(tag) =	ssettag $0x1  }
0x1: {  	s0 =	srdreg.scid;
	s3 =	rddreg [dreg:$0x0]  }
0x2: {  	s1 =	stileid.u32;
	s4 =	rddreg [dreg:$0x1];
	s2 =	simm.s32 $0x0  }
0x3: {  	s9 =	simm.s32 $0x80;
	s7 =	simm.s32 $0xC00;
	s12 =	simm.s32 $0x4C00  }
0x4: {  	s30 =	simm.s32 $0x100;
	s31 =	simm.s32 $0x180;
	s11 =	simm.s32 $0xCC00  }
0x5: {  	s10 =	simm.s32 $0x1;
	s0 =	sand.u32 $0x1, s0;
	s1 =	sshll.u32 s1, $0x1  }
0x6: {  	s28 =	simm.s32 $0x200;
	s29 =	simm.s32 $0x280;
	s1 =	sor.u32 s0, s1  }
0x7: {  	s8 =	simm.s32 $0x2;
	s0 =	ssub.s32 $0x2, s0;
	s5 =	smul.u32 $0x50000, s1  }
0x8: {  	[smem:$0x7FF] =	sst s2;
	s1 =	smul.u32 $0x180, s1;
	s24 =	sshrl.u32 s0, $0x1  }
0x9: {  	p0 =	por $0x0, $0x0;
	_ =	strace $0x80000047;
	s0 =	ssub.s32 s0, s24  }
0xa: {  	s5 =	sshrl.u32 s5, $0x3;
	s1 =	sadd.s32 s4, s1;
	s0 =	smax.u32 s0, $0x1  }
0xb: {  	s6 =	sadd.s32 s5, s3;
	[dreg:$0x3] =	wrdreg s1;
	p1 =	sne.s32 s0, $0x1  }
0xc: {  	s1 =	sadd.s32 $0xFFFFFFFF, s0;
	s17 =	sadd.s32 $0xF43200, s6;
	s0 =	rddreg [dreg:$0x3]  }
0xd: {  	s15 =	simm.s32 $0x800;
	s18 =	sadd.s32 $0xF44200, s6;
	[dreg:$0x4] =	wrdreg s17  }
0xe: {  	s16 =	simm.s32 $0x880;
	s19 =	sadd.s32 $0xF45200, s6;
	[dreg:$0x5] =	wrdreg s18  }
0xf: {  	s13 =	simm.s32 $0x900;
	s20 =	sadd.s32 $0xF46200, s6;
	[dreg:$0x6] =	wrdreg s19  }
0x10: {  	s14 =	simm.s32 $0x980;
	s21 =	sadd.s32 $0xF47200, s6;
	[dreg:$0x7] =	wrdreg s20  }
0x11: {  	s24 =	simm.s32 $0x480;
	s22 =	sadd.s32 $0xF48200, s6;
	[dreg:$0x8] =	wrdreg s21  }
0x12: {  	s5 =	sadd.s32 $0xE00, s3;
	s23 =	sadd.s32 $0xF49200, s6;
	[dreg:$0x9] =	wrdreg s22  }
0x13: {  	s3 =	simm.s32 $0x3;
	s25 =	sadd.s32 $0xF4A200, s6;
	[dreg:$0xa] =	wrdreg s23  }
.Ltmp0:
0x14: {  	s26 =	sadd.s32 $0xF4B200, s6;
	[dreg:$0xb] =	wrdreg s25;
	(pc) =	sbr.rel @!p1 .LBB2_3-.Ltmp0, $4  }
0x15: {  	s4 =	sadd.s32 $0xF4C200, s6;
	s6 =	simm.s32 $0x8C00;
	[dreg:$0xc] =	wrdreg s26  }
0x16: {  	s25 =	simm.s32 $0x300;
	s26 =	simm.s32 $0x380;
	s23 =	simm.s32 $0x400  }
0x17: {  	s21 =	simm.s32 $0x500;
	s22 =	simm.s32 $0x580;
	s19 =	simm.s32 $0x600  }
0x18: {  	s20 =	simm.s32 $0x680;
	s17 =	simm.s32 $0x700;
	s18 =	simm.s32 $0x780  }
0x19: {  	[tilespmem:s2], [sflag:$0x3] =	stream.linear.gather [hbm4b:s0+s2], $0xA00, $0x38;
	[tilespmem:$0x10C00] =	vst v63  }
0x1a: {  	_ =	swait.ge [sflag:s3], $0xA00  }
0x1b: {  	[sflag:s3] =	ssyncset.done $0x0  }
0x1c: {  	[sflag:s3] =	ssyncadd.s32 $0xFFFFF600  }
0x1d: {  	[tilespmem:s7], [sflag:$0x1] =	stream.indirect.gather [hbm4b:s5+s9], $0x80, s2, s9, $0xb8;
	[tilespmem:$0x10C00] =	vst v63  }
0x1e: {  	_ = 	snop  }
0x1f: {  	[tilespmem:s12], [sflag:$0x1] =	stream.indirect.gather [hbm4b:s5+s9], $0x80, s9, s9, $0xb8;
	[tilespmem:$0x10C00] =	vst v63  }
0x20: {  	_ = 	snop  }
0x21: {  	[tilespmem:s6], [sflag:$0x2] =	stream.indirect.gather [hbm4b:s5+s9], $0x80, s30, s9, $0xb8;
	[tilespmem:$0x10C00] =	vst v63  }
0x22: {  	_ = 	snop  }
0x23: {  	[tilespmem:s11], [sflag:$0x2] =	stream.indirect.gather [hbm4b:s5+s9], $0x80, s31, s9, $0xb8;
	[tilespmem:$0x10C00] =	vst v63  }
0x24: {  	_ =	swait.ge [sflag:s10], $0x4000  }
0x25: {  	[sflag:s10] =	ssyncset.done $0x0  }
0x26: {  	[sflag:s10] =	ssyncadd.s32 $0xFFFFC000  }
0x27: {  	_ =	swait.ge [sflag:s10], $0x4000  }
0x28: {  	[sflag:s10] =	ssyncset.done $0x0  }
0x29: {  	s0 =	rddreg [dreg:$0x4];
	[sflag:s10] =	ssyncadd.s32 $0xFFFFC000  }
0x2a: {  	[hbm4b:s0+s2] =	stream.linear.scatter [tilespmem:s7], [sflag:$0x3], $0x8000, $0x38;
	[tilespmem:$0x10C00] =	vst v63  }
0x2b: {  	_ =	swait.ge [sflag:s3], $0x8000  }
0x2c: {  	[sflag:s3] =	ssyncset.done $0x0  }
0x2d: {  	[sflag:s3] =	ssyncadd.s32 $0xFFFF8000  }
0x2e: {  	[tilespmem:s7], [sflag:$0x1] =	stream.indirect.gather [hbm4b:s5+s9], $0x80, s28, s9, $0xb8;
	[tilespmem:$0x10C00] =	vst v63  }
0x2f: {  	_ = 	snop  }
0x30: {  	[tilespmem:s12], [sflag:$0x1] =	stream.indirect.gather [hbm4b:s5+s9], $0x80, s29, s9, $0xb8;
	[tilespmem:$0x10C00] =	vst v63  }
0x31: {  	_ =	swait.ge [sflag:s8], $0x4000  }
0x32: {  	[sflag:s8] =	ssyncset.done $0x0  }
0x33: {  	[sflag:s8] =	ssyncadd.s32 $0xFFFFC000  }
0x34: {  	_ =	swait.ge [sflag:s8], $0x4000  }
0x35: {  	[sflag:s8] =	ssyncset.done $0x0  }
0x36: {  	s0 =	rddreg [dreg:$0x5];
	[sflag:s8] =	ssyncadd.s32 $0xFFFFC000  }
0x37: {  	[hbm4b:s0+s2] =	stream.linear.scatter [tilespmem:s6], [sflag:$0x3], $0x8000, $0x38;
	[tilespmem:$0x10C00] =	vst v63  }
0x38: {  	_ =	swait.ge [sflag:s3], $0x8000  }
0x39: {  	[sflag:s3] =	ssyncset.done $0x0  }
0x3a: {  	[sflag:s3] =	ssyncadd.s32 $0xFFFF8000  }
0x3b: {  	[tilespmem:s6], [sflag:$0x2] =	stream.indirect.gather [hbm4b:s5+s9], $0x80, s25, s9, $0xb8;
	[tilespmem:$0x10C00] =	vst v63  }
0x3c: {  	_ = 	snop  }
0x3d: {  	[tilespmem:s11], [sflag:$0x2] =	stream.indirect.gather [hbm4b:s5+s9], $0x80, s26, s9, $0xb8;
	[tilespmem:$0x10C00] =	vst v63  }
0x3e: {  	_ =	swait.ge [sflag:s10], $0x4000  }
0x3f: {  	[sflag:s10] =	ssyncset.done $0x0  }
0x40: {  	[sflag:s10] =	ssyncadd.s32 $0xFFFFC000  }
0x41: {  	_ =	swait.ge [sflag:s10], $0x4000  }
0x42: {  	[sflag:s10] =	ssyncset.done $0x0  }
0x43: {  	s0 =	rddreg [dreg:$0x6];
	[sflag:s10] =	ssyncadd.s32 $0xFFFFC000  }
0x44: {  	[hbm4b:s0+s2] =	stream.linear.scatter [tilespmem:s7], [sflag:$0x3], $0x8000, $0x38;
	[tilespmem:$0x10C00] =	vst v63  }
0x45: {  	_ =	swait.ge [sflag:s3], $0x8000  }
0x46: {  	[sflag:s3] =	ssyncset.done $0x0  }
0x47: {  	[sflag:s3] =	ssyncadd.s32 $0xFFFF8000  }
0x48: {  	[tilespmem:s7], [sflag:$0x1] =	stream.indirect.gather [hbm4b:s5+s9], $0x80, s23, s9, $0xb8;
	[tilespmem:$0x10C00] =	vst v63  }
0x49: {  	_ = 	snop  }
0x4a: {  	[tilespmem:s12], [sflag:$0x1] =	stream.indirect.gather [hbm4b:s5+s9], $0x80, s24, s9, $0xb8;
	[tilespmem:$0x10C00] =	vst v63  }
0x4b: {  	_ =	swait.ge [sflag:s8], $0x4000  }
0x4c: {  	[sflag:s8] =	ssyncset.done $0x0  }
0x4d: {  	[sflag:s8] =	ssyncadd.s32 $0xFFFFC000  }
0x4e: {  	_ =	swait.ge [sflag:s8], $0x4000  }
0x4f: {  	[sflag:s8] =	ssyncset.done $0x0  }
0x50: {  	s0 =	rddreg [dreg:$0x7];
	[sflag:s8] =	ssyncadd.s32 $0xFFFFC000  }
0x51: {  	[hbm4b:s0+s2] =	stream.linear.scatter [tilespmem:s6], [sflag:$0x3], $0x8000, $0x38;
	[tilespmem:$0x10C00] =	vst v63  }
0x52: {  	_ =	swait.ge [sflag:s3], $0x8000  }
0x53: {  	[sflag:s3] =	ssyncset.done $0x0  }
0x54: {  	[sflag:s3] =	ssyncadd.s32 $0xFFFF8000  }
0x55: {  	[tilespmem:s6], [sflag:$0x2] =	stream.indirect.gather [hbm4b:s5+s9], $0x80, s21, s9, $0xb8;
	[tilespmem:$0x10C00] =	vst v63  }
0x56: {  	_ = 	snop  }
0x57: {  	[tilespmem:s11], [sflag:$0x2] =	stream.indirect.gather [hbm4b:s5+s9], $0x80, s22, s9, $0xb8;
	[tilespmem:$0x10C00] =	vst v63  }
0x58: {  	_ =	swait.ge [sflag:s10], $0x4000  }
0x59: {  	[sflag:s10] =	ssyncset.done $0x0  }
0x5a: {  	[sflag:s10] =	ssyncadd.s32 $0xFFFFC000  }
0x5b: {  	_ =	swait.ge [sflag:s10], $0x4000  }
0x5c: {  	[sflag:s10] =	ssyncset.done $0x0  }
0x5d: {  	s0 =	rddreg [dreg:$0x8];
	[sflag:s10] =	ssyncadd.s32 $0xFFFFC000  }
0x5e: {  	[hbm4b:s0+s2] =	stream.linear.scatter [tilespmem:s7], [sflag:$0x3], $0x8000, $0x38;
	[tilespmem:$0x10C00] =	vst v63  }
0x5f: {  	_ =	swait.ge [sflag:s3], $0x8000  }
0x60: {  	[sflag:s3] =	ssyncset.done $0x0  }
0x61: {  	[sflag:s3] =	ssyncadd.s32 $0xFFFF8000  }
0x62: {  	[tilespmem:s7], [sflag:$0x1] =	stream.indirect.gather [hbm4b:s5+s9], $0x80, s19, s9, $0xb8;
	[tilespmem:$0x10C00] =	vst v63  }
0x63: {  	_ = 	snop  }
0x64: {  	[tilespmem:s12], [sflag:$0x1] =	stream.indirect.gather [hbm4b:s5+s9], $0x80, s20, s9, $0xb8;
	[tilespmem:$0x10C00] =	vst v63  }
0x65: {  	_ =	swait.ge [sflag:s8], $0x4000  }
0x66: {  	[sflag:s8] =	ssyncset.done $0x0  }
0x67: {  	[sflag:s8] =	ssyncadd.s32 $0xFFFFC000  }
0x68: {  	_ =	swait.ge [sflag:s8], $0x4000  }
0x69: {  	[sflag:s8] =	ssyncset.done $0x0  }
0x6a: {  	s0 =	rddreg [dreg:$0x9];
	[sflag:s8] =	ssyncadd.s32 $0xFFFFC000  }
0x6b: {  	[hbm4b:s0+s2] =	stream.linear.scatter [tilespmem:s6], [sflag:$0x3], $0x8000, $0x38;
	[tilespmem:$0x10C00] =	vst v63  }
0x6c: {  	_ =	swait.ge [sflag:s3], $0x8000  }
0x6d: {  	[sflag:s3] =	ssyncset.done $0x0  }
0x6e: {  	[sflag:s3] =	ssyncadd.s32 $0xFFFF8000  }
0x6f: {  	[tilespmem:s6], [sflag:$0x2] =	stream.indirect.gather [hbm4b:s5+s9], $0x80, s17, s9, $0xb8;
	[tilespmem:$0x10C00] =	vst v63  }
0x70: {  	_ = 	snop  }
0x71: {  	[tilespmem:s11], [sflag:$0x2] =	stream.indirect.gather [hbm4b:s5+s9], $0x80, s18, s9, $0xb8;
	[tilespmem:$0x10C00] =	vst v63  }
0x72: {  	_ =	swait.ge [sflag:s10], $0x4000  }
0x73: {  	[sflag:s10] =	ssyncset.done $0x0  }
0x74: {  	[sflag:s10] =	ssyncadd.s32 $0xFFFFC000  }
0x75: {  	_ =	swait.ge [sflag:s10], $0x4000  }
0x76: {  	[sflag:s10] =	ssyncset.done $0x0  }
0x77: {  	s0 =	rddreg [dreg:$0xa];
	[sflag:s10] =	ssyncadd.s32 $0xFFFFC000  }
0x78: {  	[hbm4b:s0+s2] =	stream.linear.scatter [tilespmem:s7], [sflag:$0x3], $0x8000, $0x38;
	[tilespmem:$0x10C00] =	vst v63  }
0x79: {  	_ =	swait.ge [sflag:s3], $0x8000  }
0x7a: {  	[sflag:s3] =	ssyncset.done $0x0  }
0x7b: {  	[sflag:s3] =	ssyncadd.s32 $0xFFFF8000  }
0x7c: {  	[tilespmem:s7], [sflag:$0x1] =	stream.indirect.gather [hbm4b:s5+s9], $0x80, s15, s9, $0xb8;
	[tilespmem:$0x10C00] =	vst v63  }
0x7d: {  	_ = 	snop  }
0x7e: {  	[tilespmem:s12], [sflag:$0x1] =	stream.indirect.gather [hbm4b:s5+s9], $0x80, s16, s9, $0xb8;
	[tilespmem:$0x10C00] =	vst v63  }
0x7f: {  	_ =	swait.ge [sflag:s8], $0x4000  }
0x80: {  	[sflag:s8] =	ssyncset.done $0x0  }
0x81: {  	[sflag:s8] =	ssyncadd.s32 $0xFFFFC000  }
0x82: {  	_ =	swait.ge [sflag:s8], $0x4000  }
0x83: {  	[sflag:s8] =	ssyncset.done $0x0  }
0x84: {  	s0 =	rddreg [dreg:$0xb];
	[sflag:s8] =	ssyncadd.s32 $0xFFFFC000  }
0x85: {  	[hbm4b:s0+s2] =	stream.linear.scatter [tilespmem:s6], [sflag:$0x3], $0x8000, $0x38;
	[tilespmem:$0x10C00] =	vst v63  }
0x86: {  	_ =	swait.ge [sflag:s3], $0x8000  }
0x87: {  	[sflag:s3] =	ssyncset.done $0x0  }
0x88: {  	[sflag:s3] =	ssyncadd.s32 $0xFFFF8000  }
0x89: {  	[tilespmem:s6], [sflag:$0x2] =	stream.indirect.gather [hbm4b:s5+s9], $0x80, s13, s9, $0xb8;
	[tilespmem:$0x10C00] =	vst v63  }
0x8a: {  	_ = 	snop  }
0x8b: {  	[tilespmem:s11], [sflag:$0x2] =	stream.indirect.gather [hbm4b:s5+s9], $0x80, s14, s9, $0xb8;
	[tilespmem:$0x10C00] =	vst v63  }
0x8c: {  	_ =	swait.ge [sflag:s10], $0x4000  }
0x8d: {  	[sflag:s10] =	ssyncset.done $0x0  }
0x8e: {  	[sflag:s10] =	ssyncadd.s32 $0xFFFFC000  }
0x8f: {  	_ =	swait.ge [sflag:s10], $0x4000  }
0x90: {  	[sflag:s10] =	ssyncset.done $0x0  }
0x91: {  	s0 =	rddreg [dreg:$0xc];
	[sflag:s10] =	ssyncadd.s32 $0xFFFFC000  }
0x92: {  	[hbm4b:s0+s2] =	stream.linear.scatter [tilespmem:s7], [sflag:$0x3], $0x8000, $0x38;
	[tilespmem:$0x10C00] =	vst v63  }
0x93: {  	_ =	swait.ge [sflag:s3], $0x8000  }
0x94: {  	[sflag:s3] =	ssyncset.done $0x0  }
0x95: {  	[sflag:s3] =	ssyncadd.s32 $0xFFFF8000  }
0x96: {  	_ =	swait.ge [sflag:s8], $0x4000  }
0x97: {  	[sflag:s8] =	ssyncset.done $0x0  }
0x98: {  	[sflag:s8] =	ssyncadd.s32 $0xFFFFC000  }
0x99: {  	p1 =	sne.s32 s1, $0x1;
	_ =	swait.ge [sflag:s8], $0x4000  }
.Ltmp1:
0x9a: {  	[sflag:s8] =	ssyncset.done $0x0;
	(pc) =	sbr.rel @!p1 .LBB2_3-.Ltmp1, $4  }
0x9b: {  	[sflag:s8] =	ssyncadd.s32 $0xFFFFC000  }
0x9c: {  	[hbm4b:s4+s2] =	stream.linear.scatter [tilespmem:s6], [sflag:$0x3], $0x8000, $0x38;
	[tilespmem:$0x10C00] =	vst v63  }
0x9d: {  	s1 =	sadd.s32 $0xFFFFFFFF, s1;
	_ =	swait.ge [sflag:s3], $0x8000  }
0x9e: {  	p0 =	por $0x1, $0x1;
	s0 =	rddreg [dreg:$0x3];
	[sflag:s3] =	ssyncset.done $0x0  }
.LBB2_2:
0x9f: {  	[sflag:s3] =	ssyncadd.s32 $0xFFFF8000  }
0xa0: {  	[tilespmem:s2], [sflag:$0x3] =	stream.linear.gather [hbm4b:s0+s2], $0xA00, $0x38;
	[tilespmem:$0x10C00] =	vst v63  }
0xa1: {  	_ =	swait.ge [sflag:s3], $0xA00  }
0xa2: {  	[sflag:s3] =	ssyncset.done $0x0  }
0xa3: {  	[sflag:s3] =	ssyncadd.s32 $0xFFFFF600  }
0xa4: {  	[tilespmem:s7], [sflag:$0x1] =	stream.indirect.gather [hbm4b:s5+s9], $0x80, s2, s9, $0xb8;
	[tilespmem:$0x10C00] =	vst v63  }
0xa5: {  	_ = 	snop  }
0xa6: {  	[tilespmem:s12], [sflag:$0x1] =	stream.indirect.gather [hbm4b:s5+s9], $0x80, s9, s9, $0xb8;
	[tilespmem:$0x10C00] =	vst v63  }
0xa7: {  	_ = 	snop  }
0xa8: {  	[tilespmem:s6], [sflag:$0x2] =	stream.indirect.gather [hbm4b:s5+s9], $0x80, s30, s9, $0xb8;
	[tilespmem:$0x10C00] =	vst v63  }
0xa9: {  	_ = 	snop  }
0xaa: {  	[tilespmem:s11], [sflag:$0x2] =	stream.indirect.gather [hbm4b:s5+s9], $0x80, s31, s9, $0xb8;
	[tilespmem:$0x10C00] =	vst v63  }
0xab: {  	_ =	swait.ge [sflag:s10], $0x4000  }
0xac: {  	[sflag:s10] =	ssyncset.done $0x0  }
0xad: {  	[sflag:s10] =	ssyncadd.s32 $0xFFFFC000  }
0xae: {  	_ =	swait.ge [sflag:s10], $0x4000  }
0xaf: {  	[sflag:s10] =	ssyncset.done $0x0  }
0xb0: {  	s0 =	rddreg [dreg:$0x4];
	[sflag:s10] =	ssyncadd.s32 $0xFFFFC000  }
0xb1: {  	[hbm4b:s0+s2] =	stream.linear.scatter [tilespmem:s7], [sflag:$0x3], $0x8000, $0x38;
	[tilespmem:$0x10C00] =	vst v63  }
0xb2: {  	_ =	swait.ge [sflag:s3], $0x8000  }
0xb3: {  	[sflag:s3] =	ssyncset.done $0x0  }
0xb4: {  	[sflag:s3] =	ssyncadd.s32 $0xFFFF8000  }
0xb5: {  	[tilespmem:s7], [sflag:$0x1] =	stream.indirect.gather [hbm4b:s5+s9], $0x80, s28, s9, $0xb8;
	[tilespmem:$0x10C00] =	vst v63  }
0xb6: {  	_ = 	snop  }
0xb7: {  	[tilespmem:s12], [sflag:$0x1] =	stream.indirect.gather [hbm4b:s5+s9], $0x80, s29, s9, $0xb8;
	[tilespmem:$0x10C00] =	vst v63  }
0xb8: {  	_ =	swait.ge [sflag:s8], $0x4000  }
0xb9: {  	[sflag:s8] =	ssyncset.done $0x0  }
0xba: {  	[sflag:s8] =	ssyncadd.s32 $0xFFFFC000  }
0xbb: {  	_ =	swait.ge [sflag:s8], $0x4000  }
0xbc: {  	[sflag:s8] =	ssyncset.done $0x0  }
0xbd: {  	s0 =	rddreg [dreg:$0x5];
	[sflag:s8] =	ssyncadd.s32 $0xFFFFC000  }
0xbe: {  	[hbm4b:s0+s2] =	stream.linear.scatter [tilespmem:s6], [sflag:$0x3], $0x8000, $0x38;
	[tilespmem:$0x10C00] =	vst v63  }
0xbf: {  	_ =	swait.ge [sflag:s3], $0x8000  }
0xc0: {  	[sflag:s3] =	ssyncset.done $0x0  }
0xc1: {  	[sflag:s3] =	ssyncadd.s32 $0xFFFF8000  }
0xc2: {  	[tilespmem:s6], [sflag:$0x2] =	stream.indirect.gather [hbm4b:s5+s9], $0x80, s25, s9, $0xb8;
	[tilespmem:$0x10C00] =	vst v63  }
0xc3: {  	_ = 	snop  }
0xc4: {  	[tilespmem:s11], [sflag:$0x2] =	stream.indirect.gather [hbm4b:s5+s9], $0x80, s26, s9, $0xb8;
	[tilespmem:$0x10C00] =	vst v63  }
0xc5: {  	_ =	swait.ge [sflag:s10], $0x4000  }
0xc6: {  	[sflag:s10] =	ssyncset.done $0x0  }
0xc7: {  	[sflag:s10] =	ssyncadd.s32 $0xFFFFC000  }
0xc8: {  	_ =	swait.ge [sflag:s10], $0x4000  }
0xc9: {  	[sflag:s10] =	ssyncset.done $0x0  }
0xca: {  	s0 =	rddreg [dreg:$0x6];
	[sflag:s10] =	ssyncadd.s32 $0xFFFFC000  }
0xcb: {  	[hbm4b:s0+s2] =	stream.linear.scatter [tilespmem:s7], [sflag:$0x3], $0x8000, $0x38;
	[tilespmem:$0x10C00] =	vst v63  }
0xcc: {  	_ =	swait.ge [sflag:s3], $0x8000  }
0xcd: {  	[sflag:s3] =	ssyncset.done $0x0  }
0xce: {  	[sflag:s3] =	ssyncadd.s32 $0xFFFF8000  }
0xcf: {  	[tilespmem:s7], [sflag:$0x1] =	stream.indirect.gather [hbm4b:s5+s9], $0x80, s23, s9, $0xb8;
	[tilespmem:$0x10C00] =	vst v63  }
0xd0: {  	_ = 	snop  }
0xd1: {  	[tilespmem:s12], [sflag:$0x1] =	stream.indirect.gather [hbm4b:s5+s9], $0x80, s24, s9, $0xb8;
	[tilespmem:$0x10C00] =	vst v63  }
0xd2: {  	_ =	swait.ge [sflag:s8], $0x4000  }
0xd3: {  	[sflag:s8] =	ssyncset.done $0x0  }
0xd4: {  	[sflag:s8] =	ssyncadd.s32 $0xFFFFC000  }
0xd5: {  	_ =	swait.ge [sflag:s8], $0x4000  }
0xd6: {  	[sflag:s8] =	ssyncset.done $0x0  }
0xd7: {  	s0 =	rddreg [dreg:$0x7];
	[sflag:s8] =	ssyncadd.s32 $0xFFFFC000  }
0xd8: {  	[hbm4b:s0+s2] =	stream.linear.scatter [tilespmem:s6], [sflag:$0x3], $0x8000, $0x38;
	[tilespmem:$0x10C00] =	vst v63  }
0xd9: {  	_ =	swait.ge [sflag:s3], $0x8000  }
0xda: {  	[sflag:s3] =	ssyncset.done $0x0  }
0xdb: {  	[sflag:s3] =	ssyncadd.s32 $0xFFFF8000  }
0xdc: {  	[tilespmem:s6], [sflag:$0x2] =	stream.indirect.gather [hbm4b:s5+s9], $0x80, s21, s9, $0xb8;
	[tilespmem:$0x10C00] =	vst v63  }
0xdd: {  	_ = 	snop  }
0xde: {  	[tilespmem:s11], [sflag:$0x2] =	stream.indirect.gather [hbm4b:s5+s9], $0x80, s22, s9, $0xb8;
	[tilespmem:$0x10C00] =	vst v63  }
0xdf: {  	_ =	swait.ge [sflag:s10], $0x4000  }
0xe0: {  	[sflag:s10] =	ssyncset.done $0x0  }
0xe1: {  	[sflag:s10] =	ssyncadd.s32 $0xFFFFC000  }
0xe2: {  	_ =	swait.ge [sflag:s10], $0x4000  }
0xe3: {  	[sflag:s10] =	ssyncset.done $0x0  }
0xe4: {  	s0 =	rddreg [dreg:$0x8];
	[sflag:s10] =	ssyncadd.s32 $0xFFFFC000  }
0xe5: {  	[hbm4b:s0+s2] =	stream.linear.scatter [tilespmem:s7], [sflag:$0x3], $0x8000, $0x38;
	[tilespmem:$0x10C00] =	vst v63  }
0xe6: {  	_ =	swait.ge [sflag:s3], $0x8000  }
0xe7: {  	[sflag:s3] =	ssyncset.done $0x0  }
0xe8: {  	[sflag:s3] =	ssyncadd.s32 $0xFFFF8000  }
0xe9: {  	[tilespmem:s7], [sflag:$0x1] =	stream.indirect.gather [hbm4b:s5+s9], $0x80, s19, s9, $0xb8;
	[tilespmem:$0x10C00] =	vst v63  }
0xea: {  	_ = 	snop  }
0xeb: {  	[tilespmem:s12], [sflag:$0x1] =	stream.indirect.gather [hbm4b:s5+s9], $0x80, s20, s9, $0xb8;
	[tilespmem:$0x10C00] =	vst v63  }
0xec: {  	_ =	swait.ge [sflag:s8], $0x4000  }
0xed: {  	[sflag:s8] =	ssyncset.done $0x0  }
0xee: {  	[sflag:s8] =	ssyncadd.s32 $0xFFFFC000  }
0xef: {  	_ =	swait.ge [sflag:s8], $0x4000  }
0xf0: {  	[sflag:s8] =	ssyncset.done $0x0  }
0xf1: {  	s0 =	rddreg [dreg:$0x9];
	[sflag:s8] =	ssyncadd.s32 $0xFFFFC000  }
0xf2: {  	[hbm4b:s0+s2] =	stream.linear.scatter [tilespmem:s6], [sflag:$0x3], $0x8000, $0x38;
	[tilespmem:$0x10C00] =	vst v63  }
0xf3: {  	_ =	swait.ge [sflag:s3], $0x8000  }
0xf4: {  	[sflag:s3] =	ssyncset.done $0x0  }
0xf5: {  	[sflag:s3] =	ssyncadd.s32 $0xFFFF8000  }
0xf6: {  	[tilespmem:s6], [sflag:$0x2] =	stream.indirect.gather [hbm4b:s5+s9], $0x80, s17, s9, $0xb8;
	[tilespmem:$0x10C00] =	vst v63  }
0xf7: {  	_ = 	snop  }
0xf8: {  	[tilespmem:s11], [sflag:$0x2] =	stream.indirect.gather [hbm4b:s5+s9], $0x80, s18, s9, $0xb8;
	[tilespmem:$0x10C00] =	vst v63  }
0xf9: {  	_ =	swait.ge [sflag:s10], $0x4000  }
0xfa: {  	[sflag:s10] =	ssyncset.done $0x0  }
0xfb: {  	[sflag:s10] =	ssyncadd.s32 $0xFFFFC000  }
0xfc: {  	_ =	swait.ge [sflag:s10], $0x4000  }
0xfd: {  	[sflag:s10] =	ssyncset.done $0x0  }
0xfe: {  	s0 =	rddreg [dreg:$0xa];
	[sflag:s10] =	ssyncadd.s32 $0xFFFFC000  }
0xff: {  	[hbm4b:s0+s2] =	stream.linear.scatter [tilespmem:s7], [sflag:$0x3], $0x8000, $0x38;
	[tilespmem:$0x10C00] =	vst v63  }
0x100: {  	_ =	swait.ge [sflag:s3], $0x8000  }
0x101: {  	[sflag:s3] =	ssyncset.done $0x0  }
0x102: {  	[sflag:s3] =	ssyncadd.s32 $0xFFFF8000  }
0x103: {  	[tilespmem:s7], [sflag:$0x1] =	stream.indirect.gather [hbm4b:s5+s9], $0x80, s15, s9, $0xb8;
	[tilespmem:$0x10C00] =	vst v63  }
0x104: {  	_ = 	snop  }
0x105: {  	[tilespmem:s12], [sflag:$0x1] =	stream.indirect.gather [hbm4b:s5+s9], $0x80, s16, s9, $0xb8;
	[tilespmem:$0x10C00] =	vst v63  }
0x106: {  	_ =	swait.ge [sflag:s8], $0x4000  }
0x107: {  	[sflag:s8] =	ssyncset.done $0x0  }
0x108: {  	[sflag:s8] =	ssyncadd.s32 $0xFFFFC000  }
0x109: {  	_ =	swait.ge [sflag:s8], $0x4000  }
0x10a: {  	[sflag:s8] =	ssyncset.done $0x0  }
0x10b: {  	s0 =	rddreg [dreg:$0xb];
	[sflag:s8] =	ssyncadd.s32 $0xFFFFC000  }
0x10c: {  	[hbm4b:s0+s2] =	stream.linear.scatter [tilespmem:s6], [sflag:$0x3], $0x8000, $0x38;
	[tilespmem:$0x10C00] =	vst v63  }
0x10d: {  	_ =	swait.ge [sflag:s3], $0x8000  }
0x10e: {  	[sflag:s3] =	ssyncset.done $0x0  }
0x10f: {  	[sflag:s3] =	ssyncadd.s32 $0xFFFF8000  }
0x110: {  	[tilespmem:s6], [sflag:$0x2] =	stream.indirect.gather [hbm4b:s5+s9], $0x80, s13, s9, $0xb8;
	[tilespmem:$0x10C00] =	vst v63  }
0x111: {  	_ = 	snop  }
0x112: {  	[tilespmem:s11], [sflag:$0x2] =	stream.indirect.gather [hbm4b:s5+s9], $0x80, s14, s9, $0xb8;
	[tilespmem:$0x10C00] =	vst v63  }
0x113: {  	_ =	swait.ge [sflag:s10], $0x4000  }
0x114: {  	[sflag:s10] =	ssyncset.done $0x0  }
0x115: {  	[sflag:s10] =	ssyncadd.s32 $0xFFFFC000  }
0x116: {  	_ =	swait.ge [sflag:s10], $0x4000  }
0x117: {  	[sflag:s10] =	ssyncset.done $0x0  }
0x118: {  	s0 =	rddreg [dreg:$0xc];
	[sflag:s10] =	ssyncadd.s32 $0xFFFFC000  }
0x119: {  	[hbm4b:s0+s2] =	stream.linear.scatter [tilespmem:s7], [sflag:$0x3], $0x8000, $0x38;
	[tilespmem:$0x10C00] =	vst v63  }
0x11a: {  	_ =	swait.ge [sflag:s3], $0x8000  }
0x11b: {  	[sflag:s3] =	ssyncset.done $0x0  }
0x11c: {  	[sflag:s3] =	ssyncadd.s32 $0xFFFF8000  }
0x11d: {  	_ =	swait.ge [sflag:s8], $0x4000  }
0x11e: {  	[sflag:s8] =	ssyncset.done $0x0  }
0x11f: {  	[sflag:s8] =	ssyncadd.s32 $0xFFFFC000  }
0x120: {  	p1 =	sne.s32 s1, $0x1;
	_ =	swait.ge [sflag:s8], $0x4000  }
.Ltmp2:
0x121: {  	[sflag:s8] =	ssyncset.done $0x0;
	(pc) =	sbr.rel @p1 .LBB2_2-.Ltmp2, $4  }
0x122: {  	[sflag:s8] =	ssyncadd.s32 $0xFFFFC000  }
0x123: {  	[hbm4b:s4+s2] =	stream.linear.scatter [tilespmem:s6], [sflag:$0x3], $0x8000, $0x38;
	[tilespmem:$0x10C00] =	vst v63  }
0x124: {  	_ =	swait.ge [sflag:s3], $0x8000  }
0x125: {  	s1 =	sadd.s32 $0xFFFFFFFF, s1;
	s0 =	rddreg [dreg:$0x3];
	[sflag:s3] =	ssyncset.done $0x0  }
.LBB2_3:
0x126: {  	[sflag:s3] =	ssyncadd.s32 @p0 $0xFFFF8000  }
0x127: {  	[tilespmem:s2], [sflag:$0x3] =	stream.linear.gather [hbm4b:s0+s2], $0xA00, $0x38;
	[tilespmem:$0x10C00] =	vst v63  }
0x128: {  	_ =	swait.ge [sflag:s3], $0xA00  }
0x129: {  	[sflag:s3] =	ssyncset.done $0x0  }
0x12a: {  	[sflag:s3] =	ssyncadd.s32 $0xFFFFF600  }
0x12b: {  	[tilespmem:s7], [sflag:$0x1] =	stream.indirect.gather [hbm4b:s5+s9], $0x80, s2, s9, $0xb8;
	[tilespmem:$0x10C00] =	vst v63  }
0x12c: {  	_ = 	snop  }
0x12d: {  	[tilespmem:s12], [sflag:$0x1] =	stream.indirect.gather [hbm4b:s5+s9], $0x80, s9, s9, $0xb8;
	[tilespmem:$0x10C00] =	vst v63  }
0x12e: {  	_ = 	snop  }
0x12f: {  	[tilespmem:s6], [sflag:$0x2] =	stream.indirect.gather [hbm4b:s5+s9], $0x80, s30, s9, $0xb8;
	[tilespmem:$0x10C00] =	vst v63  }
0x130: {  	_ = 	snop  }
0x131: {  	[tilespmem:s11], [sflag:$0x2] =	stream.indirect.gather [hbm4b:s5+s9], $0x80, s31, s9, $0xb8;
	[tilespmem:$0x10C00] =	vst v63  }
0x132: {  	_ =	swait.ge [sflag:s10], $0x4000  }
0x133: {  	[sflag:s10] =	ssyncset.done $0x0  }
0x134: {  	[sflag:s10] =	ssyncadd.s32 $0xFFFFC000  }
0x135: {  	_ =	swait.ge [sflag:s10], $0x4000  }
0x136: {  	[sflag:s10] =	ssyncset.done $0x0  }
0x137: {  	s30 =	rddreg [dreg:$0x4];
	[sflag:s10] =	ssyncadd.s32 $0xFFFFC000  }
0x138: {  	[hbm4b:s30+s2] =	stream.linear.scatter [tilespmem:s7], [sflag:$0x3], $0x8000, $0x38;
	[tilespmem:$0x10C00] =	vst v63  }
0x139: {  	_ =	swait.ge [sflag:s3], $0x8000  }
0x13a: {  	[sflag:s3] =	ssyncset.done $0x0  }
0x13b: {  	[sflag:s3] =	ssyncadd.s32 $0xFFFF8000  }
0x13c: {  	[tilespmem:s7], [sflag:$0x1] =	stream.indirect.gather [hbm4b:s5+s9], $0x80, s28, s9, $0xb8;
	[tilespmem:$0x10C00] =	vst v63  }
0x13d: {  	_ = 	snop  }
0x13e: {  	[tilespmem:s12], [sflag:$0x1] =	stream.indirect.gather [hbm4b:s5+s9], $0x80, s29, s9, $0xb8;
	[tilespmem:$0x10C00] =	vst v63  }
0x13f: {  	_ =	swait.ge [sflag:s8], $0x4000  }
0x140: {  	[sflag:s8] =	ssyncset.done $0x0  }
0x141: {  	[sflag:s8] =	ssyncadd.s32 $0xFFFFC000  }
0x142: {  	_ =	swait.ge [sflag:s8], $0x4000  }
0x143: {  	[sflag:s8] =	ssyncset.done $0x0  }
0x144: {  	s31 =	rddreg [dreg:$0x5];
	[sflag:s8] =	ssyncadd.s32 $0xFFFFC000  }
0x145: {  	[hbm4b:s31+s2] =	stream.linear.scatter [tilespmem:s6], [sflag:$0x3], $0x8000, $0x38;
	[tilespmem:$0x10C00] =	vst v63  }
0x146: {  	_ =	swait.ge [sflag:s3], $0x8000  }
0x147: {  	[sflag:s3] =	ssyncset.done $0x0  }
0x148: {  	[sflag:s3] =	ssyncadd.s32 $0xFFFF8000  }
0x149: {  	[tilespmem:s6], [sflag:$0x2] =	stream.indirect.gather [hbm4b:s5+s9], $0x80, s25, s9, $0xb8;
	[tilespmem:$0x10C00] =	vst v63  }
0x14a: {  	_ = 	snop  }
0x14b: {  	[tilespmem:s11], [sflag:$0x2] =	stream.indirect.gather [hbm4b:s5+s9], $0x80, s26, s9, $0xb8;
	[tilespmem:$0x10C00] =	vst v63  }
0x14c: {  	_ =	swait.ge [sflag:s10], $0x4000  }
0x14d: {  	[sflag:s10] =	ssyncset.done $0x0  }
0x14e: {  	[sflag:s10] =	ssyncadd.s32 $0xFFFFC000  }
0x14f: {  	_ =	swait.ge [sflag:s10], $0x4000  }
0x150: {  	[sflag:s10] =	ssyncset.done $0x0  }
0x151: {  	s1 =	rddreg [dreg:$0x6];
	[sflag:s10] =	ssyncadd.s32 $0xFFFFC000  }
0x152: {  	[hbm4b:s1+s2] =	stream.linear.scatter [tilespmem:s7], [sflag:$0x3], $0x8000, $0x38;
	[tilespmem:$0x10C00] =	vst v63  }
0x153: {  	_ =	swait.ge [sflag:s3], $0x8000  }
0x154: {  	[sflag:s3] =	ssyncset.done $0x0  }
0x155: {  	[sflag:s3] =	ssyncadd.s32 $0xFFFF8000  }
0x156: {  	[tilespmem:s7], [sflag:$0x1] =	stream.indirect.gather [hbm4b:s5+s9], $0x80, s23, s9, $0xb8;
	[tilespmem:$0x10C00] =	vst v63  }
0x157: {  	_ = 	snop  }
0x158: {  	[tilespmem:s12], [sflag:$0x1] =	stream.indirect.gather [hbm4b:s5+s9], $0x80, s24, s9, $0xb8;
	[tilespmem:$0x10C00] =	vst v63  }
0x159: {  	_ =	swait.ge [sflag:s8], $0x4000  }
0x15a: {  	[sflag:s8] =	ssyncset.done $0x0  }
0x15b: {  	[sflag:s8] =	ssyncadd.s32 $0xFFFFC000  }
0x15c: {  	_ =	swait.ge [sflag:s8], $0x4000  }
0x15d: {  	[sflag:s8] =	ssyncset.done $0x0  }
0x15e: {  	s24 =	rddreg [dreg:$0x7];
	[sflag:s8] =	ssyncadd.s32 $0xFFFFC000  }
0x15f: {  	[hbm4b:s24+s2] =	stream.linear.scatter [tilespmem:s6], [sflag:$0x3], $0x8000, $0x38;
	[tilespmem:$0x10C00] =	vst v63  }
0x160: {  	_ =	swait.ge [sflag:s3], $0x8000  }
0x161: {  	[sflag:s3] =	ssyncset.done $0x0  }
0x162: {  	[sflag:s3] =	ssyncadd.s32 $0xFFFF8000  }
0x163: {  	[tilespmem:s6], [sflag:$0x2] =	stream.indirect.gather [hbm4b:s5+s9], $0x80, s21, s9, $0xb8;
	[tilespmem:$0x10C00] =	vst v63  }
0x164: {  	_ = 	snop  }
0x165: {  	[tilespmem:s11], [sflag:$0x2] =	stream.indirect.gather [hbm4b:s5+s9], $0x80, s22, s9, $0xb8;
	[tilespmem:$0x10C00] =	vst v63  }
0x166: {  	_ =	swait.ge [sflag:s10], $0x4000  }
0x167: {  	[sflag:s10] =	ssyncset.done $0x0  }
0x168: {  	[sflag:s10] =	ssyncadd.s32 $0xFFFFC000  }
0x169: {  	_ =	swait.ge [sflag:s10], $0x4000  }
0x16a: {  	[sflag:s10] =	ssyncset.done $0x0  }
0x16b: {  	s25 =	rddreg [dreg:$0x8];
	[sflag:s10] =	ssyncadd.s32 $0xFFFFC000  }
0x16c: {  	[hbm4b:s25+s2] =	stream.linear.scatter [tilespmem:s7], [sflag:$0x3], $0x8000, $0x38;
	[tilespmem:$0x10C00] =	vst v63  }
0x16d: {  	_ =	swait.ge [sflag:s3], $0x8000  }
0x16e: {  	[sflag:s3] =	ssyncset.done $0x0  }
0x16f: {  	[sflag:s3] =	ssyncadd.s32 $0xFFFF8000  }
0x170: {  	[tilespmem:s7], [sflag:$0x1] =	stream.indirect.gather [hbm4b:s5+s9], $0x80, s19, s9, $0xb8;
	[tilespmem:$0x10C00] =	vst v63  }
0x171: {  	_ = 	snop  }
0x172: {  	[tilespmem:s12], [sflag:$0x1] =	stream.indirect.gather [hbm4b:s5+s9], $0x80, s20, s9, $0xb8;
	[tilespmem:$0x10C00] =	vst v63  }
0x173: {  	_ =	swait.ge [sflag:s8], $0x4000  }
0x174: {  	[sflag:s8] =	ssyncset.done $0x0  }
0x175: {  	[sflag:s8] =	ssyncadd.s32 $0xFFFFC000  }
0x176: {  	_ =	swait.ge [sflag:s8], $0x4000  }
0x177: {  	[sflag:s8] =	ssyncset.done $0x0  }
0x178: {  	s26 =	rddreg [dreg:$0x9];
	[sflag:s8] =	ssyncadd.s32 $0xFFFFC000  }
0x179: {  	[hbm4b:s26+s2] =	stream.linear.scatter [tilespmem:s6], [sflag:$0x3], $0x8000, $0x38;
	[tilespmem:$0x10C00] =	vst v63  }
0x17a: {  	_ =	swait.ge [sflag:s3], $0x8000  }
0x17b: {  	[sflag:s3] =	ssyncset.done $0x0  }
0x17c: {  	[sflag:s3] =	ssyncadd.s32 $0xFFFF8000  }
0x17d: {  	[tilespmem:s6], [sflag:$0x2] =	stream.indirect.gather [hbm4b:s5+s9], $0x80, s17, s9, $0xb8;
	[tilespmem:$0x10C00] =	vst v63  }
0x17e: {  	_ = 	snop  }
0x17f: {  	[tilespmem:s11], [sflag:$0x2] =	stream.indirect.gather [hbm4b:s5+s9], $0x80, s18, s9, $0xb8;
	[tilespmem:$0x10C00] =	vst v63  }
0x180: {  	_ =	swait.ge [sflag:s10], $0x4000  }
0x181: {  	[sflag:s10] =	ssyncset.done $0x0  }
0x182: {  	[sflag:s10] =	ssyncadd.s32 $0xFFFFC000  }
0x183: {  	_ =	swait.ge [sflag:s10], $0x4000  }
0x184: {  	[sflag:s10] =	ssyncset.done $0x0  }
0x185: {  	s28 =	rddreg [dreg:$0xa];
	[sflag:s10] =	ssyncadd.s32 $0xFFFFC000  }
0x186: {  	[hbm4b:s28+s2] =	stream.linear.scatter [tilespmem:s7], [sflag:$0x3], $0x8000, $0x38;
	[tilespmem:$0x10C00] =	vst v63  }
0x187: {  	_ =	swait.ge [sflag:s3], $0x8000  }
0x188: {  	[sflag:s3] =	ssyncset.done $0x0  }
0x189: {  	[sflag:s3] =	ssyncadd.s32 $0xFFFF8000  }
0x18a: {  	[tilespmem:s7], [sflag:$0x1] =	stream.indirect.gather [hbm4b:s5+s9], $0x80, s15, s9, $0xb8;
	[tilespmem:$0x10C00] =	vst v63  }
0x18b: {  	_ = 	snop  }
0x18c: {  	[tilespmem:s12], [sflag:$0x1] =	stream.indirect.gather [hbm4b:s5+s9], $0x80, s16, s9, $0xb8;
	[tilespmem:$0x10C00] =	vst v63  }
0x18d: {  	_ =	swait.ge [sflag:s8], $0x4000  }
0x18e: {  	[sflag:s8] =	ssyncset.done $0x0  }
0x18f: {  	[sflag:s8] =	ssyncadd.s32 $0xFFFFC000  }
0x190: {  	_ =	swait.ge [sflag:s8], $0x4000  }
0x191: {  	[sflag:s8] =	ssyncset.done $0x0  }
0x192: {  	s29 =	rddreg [dreg:$0xb];
	[sflag:s8] =	ssyncadd.s32 $0xFFFFC000  }
0x193: {  	[hbm4b:s29+s2] =	stream.linear.scatter [tilespmem:s6], [sflag:$0x3], $0x8000, $0x38;
	[tilespmem:$0x10C00] =	vst v63  }
0x194: {  	_ =	swait.ge [sflag:s3], $0x8000  }
0x195: {  	[sflag:s3] =	ssyncset.done $0x0  }
0x196: {  	[sflag:s3] =	ssyncadd.s32 $0xFFFF8000  }
0x197: {  	[tilespmem:s6], [sflag:$0x2] =	stream.indirect.gather [hbm4b:s5+s9], $0x80, s13, s9, $0xb8;
	[tilespmem:$0x10C00] =	vst v63  }
0x198: {  	_ = 	snop  }
0x199: {  	[tilespmem:s11], [sflag:$0x2] =	stream.indirect.gather [hbm4b:s5+s9], $0x80, s14, s9, $0xb8;
	[tilespmem:$0x10C00] =	vst v63  }
0x19a: {  	_ =	swait.ge [sflag:s10], $0x4000  }
0x19b: {  	[sflag:s10] =	ssyncset.done $0x0  }
0x19c: {  	[sflag:s10] =	ssyncadd.s32 $0xFFFFC000  }
0x19d: {  	_ =	swait.ge [sflag:s10], $0x4000  }
0x19e: {  	[sflag:s10] =	ssyncset.done $0x0  }
0x19f: {  	s30 =	rddreg [dreg:$0xc];
	[sflag:s10] =	ssyncadd.s32 $0xFFFFC000  }
0x1a0: {  	[hbm4b:s30+s2] =	stream.linear.scatter [tilespmem:s7], [sflag:$0x3], $0x8000, $0x38;
	[tilespmem:$0x10C00] =	vst v63  }
0x1a1: {  	_ =	swait.ge [sflag:s3], $0x8000  }
0x1a2: {  	[sflag:s3] =	ssyncset.done $0x0  }
0x1a3: {  	[sflag:s3] =	ssyncadd.s32 $0xFFFF8000  }
0x1a4: {  	_ =	swait.ge [sflag:s8], $0x4000  }
0x1a5: {  	[sflag:s8] =	ssyncset.done $0x0  }
0x1a6: {  	[sflag:s8] =	ssyncadd.s32 $0xFFFFC000  }
0x1a7: {  	_ =	swait.ge [sflag:s8], $0x4000  }
0x1a8: {  	[sflag:s8] =	ssyncset.done $0x0  }
0x1a9: {  	[sflag:s8] =	ssyncadd.s32 $0xFFFFC000  }
0x1aa: {  	[hbm4b:s4+s2] =	stream.linear.scatter [tilespmem:s6], [sflag:$0x3], $0x8000, $0x38;
	[tilespmem:$0x10C00] =	vst v63  }
0x1ab: {  	_ =	swait.ge [sflag:s3], $0x8000  }
0x1ac: {  	[sflag:s3] =	ssyncset.done $0x0  }
0x1ad: {  	[sflag:s3] =	ssyncadd.s32 $0xFFFF8000  }
0x1ae: {  	_ =	sfence.sel $0x180000  }
0x1af: {  	[bflag:$0x0] =	sbarrier.arrive $0xFFFF  }
0x1b0: {  	_ =	strace $0x90000047  }
0x1b1: {  	s31 =	stileid.u32;
	[bflag:$0x2] =	sbarrier.arrive $0xFFFF  }
0x1b2: {  	p0 =	sne.s32 s31, $0x0;
	s0 =	rddreg [dreg:$0x2]  }
0x1b3: {  	s0 =	sadd.s32 @!p0 $0x100000, s0  }
0x1b4: {  	[sflag:s0] =	ssyncadd.tile.s32 @!p0 $0x1;
	_ =	shalt  }
.Lfunc_end2:
_tile_overlayer_lowered:
.L_overlay_start_2:
0x1b5: {  	(tag) =	ssettag $0x2  }
0x1b6: {  	s0 =	rddreg [dreg:$0x0];
	s2 =	stileid.u32  }
0x1b7: {  	s1 =	rddreg [dreg:$0x1];
	p0 =	sne.s32 s2, $0x0  }
0x1b8: {  	s3 =	rddreg [dreg:$0x2];
	[bflag:$0x3] =	sbarrier.arrive $0xFFFF;
	s2 =	simm.s32 @!p0 $0x1C03  }
0x1b9: {  	[timem:s3], [sflag:s2] =	dma.local @!p0 [hbm:s0], s1  }
0x1ba: {  	s0 =	simm.s32 @!p0 $0x3  }
0x1bb: {  	_ =	swait.ge @!p0 [sflag:s0], s1  }
0x1bc: {  	s1 =	ssub.s32 @!p0 $0x0, s1;
	[sflag:s0] =	ssyncset.done @!p0 $0x0  }
0x1bd: {  	[sflag:s0] =	ssyncadd.s32 @!p0 s1  }
0x1be: {  	[bflag:$0x3] =	sbarrier.arrive $0xFFFF  }
0x1bf: {  	_ =	shalt  }

</sc_bundles>
